<compile_context>
chip_gen: v7x
topology: tpu7x:2x2x1
jax: 0.10.2.dev20260603
libtpu: 0.0.44.dev20260713+nightly
codegen_flags: <defaults>
</compile_context>

<pallas_src>
import functools

import jax
import jax.numpy as jnp
from jax import lax
from jax.experimental import pallas as pl
from jax.experimental.pallas import tpu as pltpu
from jax.experimental.pallas import tpu_sc as plsc

N = 10000
D = 128
DH = D // 2
E = 320000

NC = 2
NS = 16
NW = NC * NS
C = 128
NBUF = 2
DCHUNKS = -(-(E // NW) // C)
E_PAD = NW * DCHUNKS * C
SCHUNKS = E_PAD // (NS * C)
SGROUPS = SCHUNKS // NBUF
N_PAD = 10240
RPT = N_PAD // NS

_mesh = plsc.VectorSubcoreMesh(core_axis_name="c", subcore_axis_name="s")
_sc_params = pltpu.CompilerParams(use_tc_tiling_on_sc=False)




@functools.partial(
    pl.kernel,
    out_type=jax.ShapeDtypeStruct((NC, N_PAD, DH), jnp.float32),
    mesh=_mesh,
    compiler_params=_sc_params,
    scratch_types=[
        pltpu.VMEM((DCHUNKS, C), jnp.int32),
        pltpu.VMEM((C, DH), jnp.float32),
        pltpu.VMEM_SHARED((N_PAD, DH), jnp.float32),
    ],
)
def _deg_kernel(dst_hbm, ones_hbm, zeros_hbm, out_hbm, dst2d, ones_v, acc):
    cid = lax.axis_index("c")
    sid = lax.axis_index("s")
    w = cid * NS + sid
    pltpu.sync_copy(dst_hbm.at[w], dst2d)
    pltpu.sync_copy(ones_hbm, ones_v)
    pltpu.sync_copy(zeros_hbm.at[pl.ds(sid * RPT, RPT)],
                    acc.at[pl.ds(sid * RPT, RPT)])
    plsc.subcore_barrier()

    def body(j, carry):
        pltpu.sync_copy(ones_v, acc.at[dst2d.at[j]], add=True)
        return carry

    lax.fori_loop(0, DCHUNKS, body, 0)
    plsc.subcore_barrier()
    pltpu.sync_copy(acc.at[pl.ds(sid * RPT, RPT)],
                    out_hbm.at[cid, pl.ds(sid * RPT, RPT)])


def _make_scatter(dtype):
    @functools.partial(
        pl.kernel,
        out_type=jax.ShapeDtypeStruct((NC, N_PAD, DH), dtype),
        mesh=_mesh,
        compiler_params=_sc_params,
        scratch_types=[
            pltpu.VMEM((SCHUNKS, C), jnp.int32),
            pltpu.VMEM((SCHUNKS, C), jnp.int32),
            pltpu.VMEM((C, DH), dtype),
            pltpu.VMEM((C, DH), dtype),
            pltpu.VMEM_SHARED((N_PAD, DH), dtype),
            pltpu.SemaphoreType.DMA,
            pltpu.SemaphoreType.DMA,
        ],
    )
    def scatter(g_hbm, src_hbm, dst_hbm, zeros_hbm, out_hbm,
                src2d, dst2d, rows0, rows1, acc, gsem0, gsem1):
        rows = (rows0, rows1)
        sems = (gsem0, gsem1)
        cid = lax.axis_index("c")
        sid = lax.axis_index("s")
        g_half = g_hbm.at[cid]
        pltpu.sync_copy(src_hbm.at[sid], src2d)
        pltpu.sync_copy(dst_hbm.at[sid], dst2d)
        pltpu.sync_copy(zeros_hbm.at[pl.ds(sid * RPT, RPT)],
                        acc.at[pl.ds(sid * RPT, RPT)])
        plsc.subcore_barrier()

        for b in range(NBUF):
            pltpu.async_copy(g_half.at[src2d.at[b]], rows[b], sems[b])

        def body(gidx, carry):
            for b in range(NBUF):
                j = gidx * NBUF + b
                pltpu.make_async_copy(g_half.at[src2d.at[j]], rows[b],
                                      sems[b]).wait()
                pltpu.sync_copy(rows[b], acc.at[dst2d.at[j]], add=True)
                pltpu.async_copy(g_half.at[src2d.at[j + NBUF]], rows[b],
                                 sems[b])
            return carry

        lax.fori_loop(0, SGROUPS - 1, body, 0)
        for b in range(NBUF):
            j = (SGROUPS - 1) * NBUF + b
            pltpu.make_async_copy(g_half.at[src2d.at[j]], rows[b],
                                  sems[b]).wait()
            pltpu.sync_copy(rows[b], acc.at[dst2d.at[j]], add=True)
        plsc.subcore_barrier()
        pltpu.sync_copy(acc.at[pl.ds(sid * RPT, RPT)],
                        out_hbm.at[cid, pl.ds(sid * RPT, RPT)])

    return scatter


_scatter_bf16 = _make_scatter(jnp.bfloat16)




def _dis_block(dp_ref):
    deg = dp_ref[0, :, 0:1] + dp_ref[1, :, 0:1] + 1.0
    return lax.rsqrt(deg)


def _split_store(o_ref, res):
    res = res.astype(o_ref.dtype)
    o_ref[0] = res[:, :DH]
    o_ref[1] = res[:, DH:]


def _mm_body(x_ref, w_ref, o_ref):
    o_ref[...] = jnp.dot(x_ref[...], w_ref[...],
                         preferred_element_type=jnp.float32)


def _scale_body(dp_ref, h_ref, o_ref):
    dis = _dis_block(dp_ref)
    _split_store(o_ref, dis * h_ref[...])


def _mid_body(dp_ref, t_ref, g_ref, b_ref, w_ref, o_ref):
    dis = _dis_block(dp_ref)
    t0 = t_ref[0].astype(jnp.float32) + g_ref[0].astype(jnp.float32)
    t1 = t_ref[1].astype(jnp.float32) + g_ref[1].astype(jnp.float32)
    tg = jnp.concatenate([t0, t1], axis=1)
    x = jnp.maximum(dis * tg + b_ref[...], 0.0)
    _split_store(o_ref, dis * jnp.dot(x, w_ref[...],
                                      preferred_element_type=jnp.float32))


def _last_body(dp_ref, t_ref, g_ref, b_ref, o_ref):
    dis = _dis_block(dp_ref)
    t0 = t_ref[0].astype(jnp.float32) + g_ref[0].astype(jnp.float32)
    t1 = t_ref[1].astype(jnp.float32) + g_ref[1].astype(jnp.float32)
    tg = jnp.concatenate([t0, t1], axis=1)
    o_ref[...] = dis * tg + b_ref[...]


_BLK = 512
_GRID = N_PAD // _BLK

_h_spec = pl.BlockSpec((NC, _BLK, DH), lambda i: (0, i, 0))
_row_spec = pl.BlockSpec((_BLK, D), lambda i: (i, 0))
_w_spec = pl.BlockSpec((D, D), lambda i: (0, 0))
_b_spec = pl.BlockSpec((1, D), lambda i: (0, 0))

_mm_tc = pl.pallas_call(
    _mm_body, grid=(_GRID,),
    in_specs=[_row_spec, _w_spec],
    out_specs=_row_spec,
    out_shape=jax.ShapeDtypeStruct((N_PAD, D), jnp.float32))

_scale_tc = pl.pallas_call(
    _scale_body, grid=(_GRID,),
    in_specs=[_h_spec, _row_spec],
    out_specs=_h_spec,
    out_shape=jax.ShapeDtypeStruct((NC, N_PAD, DH), jnp.bfloat16))

_mid_tc_bf16 = pl.pallas_call(
    _mid_body, grid=(_GRID,),
    in_specs=[_h_spec, _h_spec, _h_spec, _b_spec, _w_spec],
    out_specs=_h_spec,
    out_shape=jax.ShapeDtypeStruct((NC, N_PAD, DH), jnp.bfloat16))

_last_tc = pl.pallas_call(
    _last_body, grid=(_GRID,),
    in_specs=[_h_spec, _h_spec, _h_spec, _b_spec],
    out_specs=_row_spec,
    out_shape=jax.ShapeDtypeStruct((N_PAD, D), jnp.float32))




def kernel(X, edge_index, W1, b1, W2, b2, W3, b3):
    src = edge_index[0].astype(jnp.int32)
    dst = edge_index[1].astype(jnp.int32)
    pad = jnp.full((E_PAD - E,), N, dtype=jnp.int32)
    src_flat = jnp.concatenate([src, pad])
    dst_flat = jnp.concatenate([dst, pad])
    dst3deg = jnp.reshape(dst_flat, (NW, DCHUNKS, C))
    src3 = jnp.reshape(src_flat, (NS, SCHUNKS, C))
    dst3 = jnp.reshape(dst_flat, (NS, SCHUNKS, C))

    x_pad = jnp.zeros((N_PAD, D), jnp.float32).at[:N].set(X)
    onesH = jnp.ones((C, DH), jnp.float32)
    zerosH = jnp.zeros((N_PAD, DH), jnp.float32)

    h1 = _mm_tc(x_pad, W1)
    dp = _deg_kernel(dst3deg, onesH, zerosH)

    b1r = jnp.reshape(b1, (1, D))
    b2r = jnp.reshape(b2, (1, D))
    b3r = jnp.reshape(b3, (1, D))

    zerosHb = jnp.zeros((N_PAD, DH), jnp.bfloat16)
    g1 = _scale_tc(dp, h1)
    t1 = _scatter_bf16(g1, src3, dst3, zerosHb)
    g2 = _mid_tc_bf16(dp, t1, g1, b1r, W2)
    t2 = _scatter_bf16(g2, src3, dst3, zerosHb)
    g3 = _mid_tc_bf16(dp, t2, g2, b2r, W3)
    t3 = _scatter_bf16(g3, src3, dst3, zerosHb)
    out = _last_tc(dp, t3, g3, b3r)
    return out[:N]

# --- scband reference (transcript-rebuilt; emitter-appended) ---
"""Pipeline reference for scband-gcn-23845658428197 (READ-ONLY COPY).

The authoritative reference and input builder live on the scoring server;
editing this copy changes nothing except your own understanding.
"""

import jax, jax.numpy as jnp
import numpy as np

N = 10000
E = 320000
D_IN = 128
D_HID = 128
D_OUT = 128


def gcn_conv(x, edge_index, W, b):
    # PyG-style GCNConv: add self-loops, symmetric normalization, linear, aggregate, bias
    n = x.shape[0]
    loop = jnp.arange(n, dtype=edge_index.dtype)
    src = jnp.concatenate([edge_index[0], loop])
    dst = jnp.concatenate([edge_index[1], loop])
    deg = jnp.zeros((n,), dtype=x.dtype).at[dst].add(1.0)
    deg_inv_sqrt = jnp.where(deg > 0, 1.0 / jnp.sqrt(deg), 0.0)
    norm = deg_inv_sqrt[src] * deg_inv_sqrt[dst]
    h = x @ W
    msg = h[src] * norm[:, None]
    out = jnp.zeros((n, W.shape[1]), dtype=x.dtype).at[dst].add(msg)
    return out + b


def setup_inputs(seed: int = 0) -> dict:
    key = jax.random.key(seed)
    ks = jax.random.split(key, 8)
    X = jax.random.normal(ks[0], (N, D_IN), dtype=jnp.float32)
    edge_index = jax.random.randint(ks[1], (2, E), 0, N)
    W1 = jax.random.normal(ks[2], (D_IN, D_HID), dtype=jnp.float32) * 0.05
    b1 = jax.random.normal(ks[3], (D_HID,), dtype=jnp.float32) * 0.05
    W2 = jax.random.normal(ks[4], (D_HID, D_HID), dtype=jnp.float32) * 0.05
    b2 = jax.random.normal(ks[5], (D_HID,), dtype=jnp.float32) * 0.05
    W3 = jax.random.normal(ks[6], (D_HID, D_OUT), dtype=jnp.float32) * 0.05
    b3 = jax.random.normal(ks[7], (D_OUT,), dtype=jnp.float32) * 0.05
    return {"X": X, "edge_index": edge_index, "W1": W1, "b1": b1, "W2": W2, "b2": b2, "W3": W3, "b3": b3}


def reference(X, edge_index, W1, b1, W2, b2, W3, b3):
    h = gcn_conv(X, edge_index, W1, b1)
    h = jax.nn.relu(h)
    h = gcn_conv(h, edge_index, W2, b2)
    h = jax.nn.relu(h)
    out = gcn_conv(h, edge_index, W3, b3)
    return out

if __name__ == "__main__":
    import jax
    _d = setup_inputs()
    print(jax.jit(kernel)(*tuple(_d.values())))

</pallas_src>

<mosaic_0001>
#map = affine_map<(d0, d1) -> (0, 0, 0)>
#map1 = affine_map<(d0, d1) -> (0, 0)>
module attributes {stable_mosaic.version = 14 : i64} {
  func.func @scatter(%arg0: i32, %arg1: i32, %arg2: memref<2x10240x64xbf16, #tpu.memory_space<hbm>>, %arg3: memref<16x158x128xi32, #tpu.memory_space<hbm>>, %arg4: memref<16x158x128xi32, #tpu.memory_space<hbm>>, %arg5: memref<10240x64xbf16, #tpu.memory_space<hbm>>, %arg6: memref<2x10240x64xbf16, #tpu.memory_space<hbm>>, %arg7: memref<158x128xi32, #tpu.memory_space<vmem>>, %arg8: memref<158x128xi32, #tpu.memory_space<vmem>>, %arg9: memref<128x64xbf16, #tpu.memory_space<vmem>>, %arg10: memref<128x64xbf16, #tpu.memory_space<vmem>>, %arg11: memref<10240x64xbf16, #tpu.memory_space<vmem_shared>>, %arg12: memref<!tpu.dma_semaphore, #tpu.memory_space<semaphore_mem>>, %arg13: memref<!tpu.dma_semaphore, #tpu.memory_space<semaphore_mem>>) attributes {dimension_semantics = [#tpu.dimension_semantics<core_parallel>, #tpu.dimension_semantics<subcore_parallel>], iteration_bounds = array<i64: 2, 16>, scalar_prefetch = 0 : i64, scratch_operands = 7 : i64, tpu.core_type = #tpu.core_type<sc_vector_subcore>, window_params = [{transform_indices = #map}, {transform_indices = #map}, {transform_indices = #map}, {transform_indices = #map1}, {transform_indices = #map}]} {
    "tpu.region"() ({
      %run_scoped3A_56 = tpu.sem_alloc : memref<!tpu.dma_semaphore, #tpu.memory_space<semaphore_mem>>
      %dma_start3A_57 = arith.constant 0 : i32
      %dma_start3A_58 = arith.constant 0 : i32
      %dma_start3A_59 = tpu.memref_slice %arg3[%arg1, %dma_start3A_57, %dma_start3A_58] : memref<16x158x128xi32, #tpu.memory_space<hbm>> -> memref<1x158x128xi32, #tpu.memory_space<hbm>>
      %dma_start3A_60 = tpu.memref_squeeze %dma_start3A_59 : memref<1x158x128xi32, #tpu.memory_space<hbm>> -> memref<158x128xi32, #tpu.memory_space<hbm>>
      %dma_start3A_61 = arith.constant 0 : i32
      %dma_start3A_62 = arith.constant 0 : i32
      %dma_start3A_63 = tpu.memref_slice %arg3[%arg1, %dma_start3A_61, %dma_start3A_62] : memref<16x158x128xi32, #tpu.memory_space<hbm>> -> memref<1x158x128xi32, #tpu.memory_space<hbm>>
      %dma_start3A_64 = tpu.memref_squeeze %dma_start3A_63 : memref<1x158x128xi32, #tpu.memory_space<hbm>> -> memref<158x128xi32, #tpu.memory_space<hbm>>
      tpu.enqueue_dma source(%dma_start3A_64 : memref<158x128xi32, #tpu.memory_space<hbm>>) target(%arg7 : memref<158x128xi32, #tpu.memory_space<vmem>>) target_semaphore(%run_scoped3A_56 : memref<!tpu.dma_semaphore, #tpu.memory_space<semaphore_mem>>)
      %dma_wait3A_65 = arith.constant 0 : i32
      %dma_wait3A_66 = arith.constant 0 : i32
      %dma_wait3A_67 = tpu.memref_slice %arg3[%arg1, %dma_wait3A_65, %dma_wait3A_66] : memref<16x158x128xi32, #tpu.memory_space<hbm>> -> memref<1x158x128xi32, #tpu.memory_space<hbm>>
      %dma_wait3A_68 = tpu.memref_squeeze %dma_wait3A_67 : memref<1x158x128xi32, #tpu.memory_space<hbm>> -> memref<158x128xi32, #tpu.memory_space<hbm>>
      %dma_wait3A_69 = arith.constant 0 : i32
      %dma_wait3A_70 = arith.constant 0 : i32
      %dma_wait3A_71 = tpu.memref_slice %arg3[%arg1, %dma_wait3A_69, %dma_wait3A_70] : memref<16x158x128xi32, #tpu.memory_space<hbm>> -> memref<1x158x128xi32, #tpu.memory_space<hbm>>
      %dma_wait3A_72 = tpu.memref_squeeze %dma_wait3A_71 : memref<1x158x128xi32, #tpu.memory_space<hbm>> -> memref<158x128xi32, #tpu.memory_space<hbm>>
      tpu.wait_dma2 semaphore(%run_scoped3A_56 : memref<!tpu.dma_semaphore, #tpu.memory_space<semaphore_mem>>) src(%dma_wait3A_72 : memref<158x128xi32, #tpu.memory_space<hbm>>) dst(%arg7 : memref<158x128xi32, #tpu.memory_space<vmem>>)
      tpu.yield
    }) : () -> ()
    "tpu.region"() ({
      %run_scoped3A_56 = tpu.sem_alloc : memref<!tpu.dma_semaphore, #tpu.memory_space<semaphore_mem>>
      %dma_start3A_57 = arith.constant 0 : i32
      %dma_start3A_58 = arith.constant 0 : i32
      %dma_start3A_59 = tpu.memref_slice %arg4[%arg1, %dma_start3A_57, %dma_start3A_58] : memref<16x158x128xi32, #tpu.memory_space<hbm>> -> memref<1x158x128xi32, #tpu.memory_space<hbm>>
      %dma_start3A_60 = tpu.memref_squeeze %dma_start3A_59 : memref<1x158x128xi32, #tpu.memory_space<hbm>> -> memref<158x128xi32, #tpu.memory_space<hbm>>
      %dma_start3A_61 = arith.constant 0 : i32
      %dma_start3A_62 = arith.constant 0 : i32
      %dma_start3A_63 = tpu.memref_slice %arg4[%arg1, %dma_start3A_61, %dma_start3A_62] : memref<16x158x128xi32, #tpu.memory_space<hbm>> -> memref<1x158x128xi32, #tpu.memory_space<hbm>>
      %dma_start3A_64 = tpu.memref_squeeze %dma_start3A_63 : memref<1x158x128xi32, #tpu.memory_space<hbm>> -> memref<158x128xi32, #tpu.memory_space<hbm>>
      tpu.enqueue_dma source(%dma_start3A_64 : memref<158x128xi32, #tpu.memory_space<hbm>>) target(%arg8 : memref<158x128xi32, #tpu.memory_space<vmem>>) target_semaphore(%run_scoped3A_56 : memref<!tpu.dma_semaphore, #tpu.memory_space<semaphore_mem>>)
      %dma_wait3A_65 = arith.constant 0 : i32
      %dma_wait3A_66 = arith.constant 0 : i32
      %dma_wait3A_67 = tpu.memref_slice %arg4[%arg1, %dma_wait3A_65, %dma_wait3A_66] : memref<16x158x128xi32, #tpu.memory_space<hbm>> -> memref<1x158x128xi32, #tpu.memory_space<hbm>>
      %dma_wait3A_68 = tpu.memref_squeeze %dma_wait3A_67 : memref<1x158x128xi32, #tpu.memory_space<hbm>> -> memref<158x128xi32, #tpu.memory_space<hbm>>
      %dma_wait3A_69 = arith.constant 0 : i32
      %dma_wait3A_70 = arith.constant 0 : i32
      %dma_wait3A_71 = tpu.memref_slice %arg4[%arg1, %dma_wait3A_69, %dma_wait3A_70] : memref<16x158x128xi32, #tpu.memory_space<hbm>> -> memref<1x158x128xi32, #tpu.memory_space<hbm>>
      %dma_wait3A_72 = tpu.memref_squeeze %dma_wait3A_71 : memref<1x158x128xi32, #tpu.memory_space<hbm>> -> memref<158x128xi32, #tpu.memory_space<hbm>>
      tpu.wait_dma2 semaphore(%run_scoped3A_56 : memref<!tpu.dma_semaphore, #tpu.memory_space<semaphore_mem>>) src(%dma_wait3A_72 : memref<158x128xi32, #tpu.memory_space<hbm>>) dst(%arg8 : memref<158x128xi32, #tpu.memory_space<vmem>>)
      tpu.yield
    }) : () -> ()
    %mul3A = arith.constant 640 : i32
    %mul3A_0 = arith.muli %arg1, %mul3A : i32
    %mul3A_1 = arith.constant 640 : i32
    %mul3A_2 = arith.muli %arg1, %mul3A_1 : i32
    "tpu.region"() ({
      %run_scoped3A_56 = tpu.sem_alloc : memref<!tpu.dma_semaphore, #tpu.memory_space<semaphore_mem>>
      %dma_start3A_57 = arith.constant 0 : i32
      %dma_start3A_58 = tpu.memref_slice %arg11[%mul3A_2, %dma_start3A_57] : memref<10240x64xbf16, #tpu.memory_space<vmem_shared>> -> memref<640x64xbf16, #tpu.memory_space<vmem_shared>>
      %dma_start3A_59 = arith.constant 0 : i32
      %dma_start3A_60 = tpu.memref_slice %arg5[%mul3A_0, %dma_start3A_59] : memref<10240x64xbf16, #tpu.memory_space<hbm>> -> memref<640x64xbf16, #tpu.memory_space<hbm>>
      tpu.enqueue_dma source(%dma_start3A_60 : memref<640x64xbf16, #tpu.memory_space<hbm>>) target(%dma_start3A_58 : memref<640x64xbf16, #tpu.memory_space<vmem_shared>>) target_semaphore(%run_scoped3A_56 : memref<!tpu.dma_semaphore, #tpu.memory_space<semaphore_mem>>)
      %dma_wait3A_61 = arith.constant 0 : i32
      %dma_wait3A_62 = tpu.memref_slice %arg11[%mul3A_2, %dma_wait3A_61] : memref<10240x64xbf16, #tpu.memory_space<vmem_shared>> -> memref<640x64xbf16, #tpu.memory_space<vmem_shared>>
      %dma_wait3A_63 = arith.constant 0 : i32
      %dma_wait3A_64 = tpu.memref_slice %arg5[%mul3A_0, %dma_wait3A_63] : memref<10240x64xbf16, #tpu.memory_space<hbm>> -> memref<640x64xbf16, #tpu.memory_space<hbm>>
      tpu.wait_dma2 semaphore(%run_scoped3A_56 : memref<!tpu.dma_semaphore, #tpu.memory_space<semaphore_mem>>) src(%dma_wait3A_64 : memref<640x64xbf16, #tpu.memory_space<hbm>>) dst(%dma_wait3A_62 : memref<640x64xbf16, #tpu.memory_space<vmem_shared>>)
      tpu.yield
    }) : () -> ()
    %barrier3A = arith.constant 0 : index
    tpu.barrier barrier_id(%barrier3A)
    %dma_start3A = arith.constant 0 : i32
    %dma_start3A_3 = arith.constant 0 : i32
    %dma_start3A_4 = tpu.memref_slice %arg7[%dma_start3A, %dma_start3A_3] : memref<158x128xi32, #tpu.memory_space<vmem>> -> memref<1x128xi32, #tpu.memory_space<vmem>>
    %dma_start3A_5 = tpu.memref_squeeze %dma_start3A_4 : memref<1x128xi32, #tpu.memory_space<vmem>> -> memref<128xi32, #tpu.memory_space<vmem>>
    %dma_start3A_6 = arith.constant 0 : i32
    %dma_start3A_7 = arith.constant 0 : i32
    %dma_start3A_8 = tpu.memref_slice %arg2[%arg0, %dma_start3A_6, %dma_start3A_7] : memref<2x10240x64xbf16, #tpu.memory_space<hbm>> -> memref<1x10240x64xbf16, #tpu.memory_space<hbm>>
    %dma_start3A_9 = tpu.memref_squeeze %dma_start3A_8 : memref<1x10240x64xbf16, #tpu.memory_space<hbm>> -> memref<10240x64xbf16, #tpu.memory_space<hbm>>
    %dma_start3A_10 = arith.constant 0 : i32
    %dma_start3A_11 = arith.constant 0 : i32
    %dma_start3A_12 = tpu.memref_slice %dma_start3A_9[%dma_start3A_10, %dma_start3A_11] : memref<10240x64xbf16, #tpu.memory_space<hbm>> -> memref<10240x64xbf16, #tpu.memory_space<hbm>>
    tpu.enqueue_indirect_dma source(%dma_start3A_12 : memref<10240x64xbf16, #tpu.memory_space<hbm>>) target(%arg9 : memref<128x64xbf16, #tpu.memory_space<vmem>>) offsets(%dma_start3A_5 : memref<128xi32, #tpu.memory_space<vmem>>) semaphore(%arg12 : memref<!tpu.dma_semaphore, #tpu.memory_space<semaphore_mem>>)
    %dma_start3A_13 = arith.constant 1 : i32
    %dma_start3A_14 = arith.constant 0 : i32
    %dma_start3A_15 = tpu.memref_slice %arg7[%dma_start3A_13, %dma_start3A_14] : memref<158x128xi32, #tpu.memory_space<vmem>> -> memref<1x128xi32, #tpu.memory_space<vmem>>
    %dma_start3A_16 = tpu.memref_squeeze %dma_start3A_15 : memref<1x128xi32, #tpu.memory_space<vmem>> -> memref<128xi32, #tpu.memory_space<vmem>>
    %dma_start3A_17 = arith.constant 0 : i32
    %dma_start3A_18 = arith.constant 0 : i32
    %dma_start3A_19 = tpu.memref_slice %arg2[%arg0, %dma_start3A_17, %dma_start3A_18] : memref<2x10240x64xbf16, #tpu.memory_space<hbm>> -> memref<1x10240x64xbf16, #tpu.memory_space<hbm>>
    %dma_start3A_20 = tpu.memref_squeeze %dma_start3A_19 : memref<1x10240x64xbf16, #tpu.memory_space<hbm>> -> memref<10240x64xbf16, #tpu.memory_space<hbm>>
    %dma_start3A_21 = arith.constant 0 : i32
    %dma_start3A_22 = arith.constant 0 : i32
    %dma_start3A_23 = tpu.memref_slice %dma_start3A_20[%dma_start3A_21, %dma_start3A_22] : memref<10240x64xbf16, #tpu.memory_space<hbm>> -> memref<10240x64xbf16, #tpu.memory_space<hbm>>
    tpu.enqueue_indirect_dma source(%dma_start3A_23 : memref<10240x64xbf16, #tpu.memory_space<hbm>>) target(%arg10 : memref<128x64xbf16, #tpu.memory_space<vmem>>) offsets(%dma_start3A_16 : memref<128xi32, #tpu.memory_space<vmem>>) semaphore(%arg13 : memref<!tpu.dma_semaphore, #tpu.memory_space<semaphore_mem>>)
    %scan3A = arith.constant 0 : i32
    %scan3A_24 = arith.constant 0 : i32
    %scan3A_25 = arith.constant 78 : i32
    %scan3A_26 = arith.addi %scan3A_24, %scan3A_25 : i32
    %scan3A_27 = arith.constant 1 : i32
    scf.for %scan3A_56 = %scan3A_24 to %scan3A_26 step %scan3A_27  : i32 {
      %mul3A_57 = arith.constant 2 : i32
      %mul3A_58 = arith.muli %scan3A_56, %mul3A_57 : i32
      %add3A = arith.constant 0 : i32
      %add3A_59 = arith.addi %mul3A_58, %add3A : i32
      %dma_wait3A_60 = arith.constant 0 : i32
      %dma_wait3A_61 = tpu.memref_slice %arg7[%add3A_59, %dma_wait3A_60] : memref<158x128xi32, #tpu.memory_space<vmem>> -> memref<1x128xi32, #tpu.memory_space<vmem>>
      %dma_wait3A_62 = tpu.memref_squeeze %dma_wait3A_61 : memref<1x128xi32, #tpu.memory_space<vmem>> -> memref<128xi32, #tpu.memory_space<vmem>>
      %dma_wait3A_63 = arith.constant 0 : i32
      %dma_wait3A_64 = arith.constant 0 : i32
      %dma_wait3A_65 = tpu.memref_slice %arg2[%arg0, %dma_wait3A_63, %dma_wait3A_64] : memref<2x10240x64xbf16, #tpu.memory_space<hbm>> -> memref<1x10240x64xbf16, #tpu.memory_space<hbm>>
      %dma_wait3A_66 = tpu.memref_squeeze %dma_wait3A_65 : memref<1x10240x64xbf16, #tpu.memory_space<hbm>> -> memref<10240x64xbf16, #tpu.memory_space<hbm>>
      %dma_wait3A_67 = arith.constant 0 : i32
      %dma_wait3A_68 = arith.constant 0 : i32
      %dma_wait3A_69 = tpu.memref_slice %dma_wait3A_66[%dma_wait3A_67, %dma_wait3A_68] : memref<10240x64xbf16, #tpu.memory_space<hbm>> -> memref<10240x64xbf16, #tpu.memory_space<hbm>>
      tpu.wait_indirect_dma semaphore(%arg12 : memref<!tpu.dma_semaphore, #tpu.memory_space<semaphore_mem>>) src(%dma_wait3A_69 : memref<10240x64xbf16, #tpu.memory_space<hbm>>) dst(%arg9 : memref<128x64xbf16, #tpu.memory_space<vmem>>)
      "tpu.region"() ({
        %run_scoped3A_108 = tpu.sem_alloc : memref<!tpu.dma_semaphore, #tpu.memory_space<semaphore_mem>>
        %dma_start3A_109 = arith.constant 0 : i32
        %dma_start3A_110 = tpu.memref_slice %arg8[%add3A_59, %dma_start3A_109] : memref<158x128xi32, #tpu.memory_space<vmem>> -> memref<1x128xi32, #tpu.memory_space<vmem>>
        %dma_start3A_111 = tpu.memref_squeeze %dma_start3A_110 : memref<1x128xi32, #tpu.memory_space<vmem>> -> memref<128xi32, #tpu.memory_space<vmem>>
        %dma_start3A_112 = arith.constant 0 : i32
        %dma_start3A_113 = arith.constant 0 : i32
        %dma_start3A_114 = tpu.memref_slice %arg11[%dma_start3A_112, %dma_start3A_113] : memref<10240x64xbf16, #tpu.memory_space<vmem_shared>> -> memref<10240x64xbf16, #tpu.memory_space<vmem_shared>>
        tpu.enqueue_indirect_dma source(%arg9 : memref<128x64xbf16, #tpu.memory_space<vmem>>) target(%dma_start3A_114 : memref<10240x64xbf16, #tpu.memory_space<vmem_shared>>) offsets(%dma_start3A_111 : memref<128xi32, #tpu.memory_space<vmem>>) semaphore(%run_scoped3A_108 : memref<!tpu.dma_semaphore, #tpu.memory_space<semaphore_mem>>) {add = true}
        %dma_wait3A_115 = arith.constant 0 : i32
        %dma_wait3A_116 = tpu.memref_slice %arg8[%add3A_59, %dma_wait3A_115] : memref<158x128xi32, #tpu.memory_space<vmem>> -> memref<1x128xi32, #tpu.memory_space<vmem>>
        %dma_wait3A_117 = tpu.memref_squeeze %dma_wait3A_116 : memref<1x128xi32, #tpu.memory_space<vmem>> -> memref<128xi32, #tpu.memory_space<vmem>>
        %dma_wait3A_118 = arith.constant 0 : i32
        %dma_wait3A_119 = arith.constant 0 : i32
        %dma_wait3A_120 = tpu.memref_slice %arg11[%dma_wait3A_118, %dma_wait3A_119] : memref<10240x64xbf16, #tpu.memory_space<vmem_shared>> -> memref<10240x64xbf16, #tpu.memory_space<vmem_shared>>
        tpu.wait_indirect_dma semaphore(%run_scoped3A_108 : memref<!tpu.dma_semaphore, #tpu.memory_space<semaphore_mem>>) src(%arg9 : memref<128x64xbf16, #tpu.memory_space<vmem>>) dst(%dma_wait3A_120 : memref<10240x64xbf16, #tpu.memory_space<vmem_shared>>)
        tpu.yield
      }) : () -> ()
      %add3A_70 = arith.constant 2 : i32
      %add3A_71 = arith.addi %add3A_59, %add3A_70 : i32
      %dma_start3A_72 = arith.constant 0 : i32
      %dma_start3A_73 = tpu.memref_slice %arg7[%add3A_71, %dma_start3A_72] : memref<158x128xi32, #tpu.memory_space<vmem>> -> memref<1x128xi32, #tpu.memory_space<vmem>>
      %dma_start3A_74 = tpu.memref_squeeze %dma_start3A_73 : memref<1x128xi32, #tpu.memory_space<vmem>> -> memref<128xi32, #tpu.memory_space<vmem>>
      %dma_start3A_75 = arith.constant 0 : i32
      %dma_start3A_76 = arith.constant 0 : i32
      %dma_start3A_77 = tpu.memref_slice %arg2[%arg0, %dma_start3A_75, %dma_start3A_76] : memref<2x10240x64xbf16, #tpu.memory_space<hbm>> -> memref<1x10240x64xbf16, #tpu.memory_space<hbm>>
      %dma_start3A_78 = tpu.memref_squeeze %dma_start3A_77 : memref<1x10240x64xbf16, #tpu.memory_space<hbm>> -> memref<10240x64xbf16, #tpu.memory_space<hbm>>
      %dma_start3A_79 = arith.constant 0 : i32
      %dma_start3A_80 = arith.constant 0 : i32
      %dma_start3A_81 = tpu.memref_slice %dma_start3A_78[%dma_start3A_79, %dma_start3A_80] : memref<10240x64xbf16, #tpu.memory_space<hbm>> -> memref<10240x64xbf16, #tpu.memory_space<hbm>>
      tpu.enqueue_indirect_dma source(%dma_start3A_81 : memref<10240x64xbf16, #tpu.memory_space<hbm>>) target(%arg9 : memref<128x64xbf16, #tpu.memory_space<vmem>>) offsets(%dma_start3A_74 : memref<128xi32, #tpu.memory_space<vmem>>) semaphore(%arg12 : memref<!tpu.dma_semaphore, #tpu.memory_space<semaphore_mem>>)
      %mul3A_82 = arith.constant 2 : i32
      %mul3A_83 = arith.muli %scan3A_56, %mul3A_82 : i32
      %add3A_84 = arith.constant 1 : i32
      %add3A_85 = arith.addi %mul3A_83, %add3A_84 : i32
      %dma_wait3A_86 = arith.constant 0 : i32
      %dma_wait3A_87 = tpu.memref_slice %arg7[%add3A_85, %dma_wait3A_86] : memref<158x128xi32, #tpu.memory_space<vmem>> -> memref<1x128xi32, #tpu.memory_space<vmem>>
      %dma_wait3A_88 = tpu.memref_squeeze %dma_wait3A_87 : memref<1x128xi32, #tpu.memory_space<vmem>> -> memref<128xi32, #tpu.memory_space<vmem>>
      %dma_wait3A_89 = arith.constant 0 : i32
      %dma_wait3A_90 = arith.constant 0 : i32
      %dma_wait3A_91 = tpu.memref_slice %arg2[%arg0, %dma_wait3A_89, %dma_wait3A_90] : memref<2x10240x64xbf16, #tpu.memory_space<hbm>> -> memref<1x10240x64xbf16, #tpu.memory_space<hbm>>
      %dma_wait3A_92 = tpu.memref_squeeze %dma_wait3A_91 : memref<1x10240x64xbf16, #tpu.memory_space<hbm>> -> memref<10240x64xbf16, #tpu.memory_space<hbm>>
      %dma_wait3A_93 = arith.constant 0 : i32
      %dma_wait3A_94 = arith.constant 0 : i32
      %dma_wait3A_95 = tpu.memref_slice %dma_wait3A_92[%dma_wait3A_93, %dma_wait3A_94] : memref<10240x64xbf16, #tpu.memory_space<hbm>> -> memref<10240x64xbf16, #tpu.memory_space<hbm>>
      tpu.wait_indirect_dma semaphore(%arg13 : memref<!tpu.dma_semaphore, #tpu.memory_space<semaphore_mem>>) src(%dma_wait3A_95 : memref<10240x64xbf16, #tpu.memory_space<hbm>>) dst(%arg10 : memref<128x64xbf16, #tpu.memory_space<vmem>>)
      "tpu.region"() ({
        %run_scoped3A_108 = tpu.sem_alloc : memref<!tpu.dma_semaphore, #tpu.memory_space<semaphore_mem>>
        %dma_start3A_109 = arith.constant 0 : i32
        %dma_start3A_110 = tpu.memref_slice %arg8[%add3A_85, %dma_start3A_109] : memref<158x128xi32, #tpu.memory_space<vmem>> -> memref<1x128xi32, #tpu.memory_space<vmem>>
        %dma_start3A_111 = tpu.memref_squeeze %dma_start3A_110 : memref<1x128xi32, #tpu.memory_space<vmem>> -> memref<128xi32, #tpu.memory_space<vmem>>
        %dma_start3A_112 = arith.constant 0 : i32
        %dma_start3A_113 = arith.constant 0 : i32
        %dma_start3A_114 = tpu.memref_slice %arg11[%dma_start3A_112, %dma_start3A_113] : memref<10240x64xbf16, #tpu.memory_space<vmem_shared>> -> memref<10240x64xbf16, #tpu.memory_space<vmem_shared>>
        tpu.enqueue_indirect_dma source(%arg10 : memref<128x64xbf16, #tpu.memory_space<vmem>>) target(%dma_start3A_114 : memref<10240x64xbf16, #tpu.memory_space<vmem_shared>>) offsets(%dma_start3A_111 : memref<128xi32, #tpu.memory_space<vmem>>) semaphore(%run_scoped3A_108 : memref<!tpu.dma_semaphore, #tpu.memory_space<semaphore_mem>>) {add = true}
        %dma_wait3A_115 = arith.constant 0 : i32
        %dma_wait3A_116 = tpu.memref_slice %arg8[%add3A_85, %dma_wait3A_115] : memref<158x128xi32, #tpu.memory_space<vmem>> -> memref<1x128xi32, #tpu.memory_space<vmem>>
        %dma_wait3A_117 = tpu.memref_squeeze %dma_wait3A_116 : memref<1x128xi32, #tpu.memory_space<vmem>> -> memref<128xi32, #tpu.memory_space<vmem>>
        %dma_wait3A_118 = arith.constant 0 : i32
        %dma_wait3A_119 = arith.constant 0 : i32
        %dma_wait3A_120 = tpu.memref_slice %arg11[%dma_wait3A_118, %dma_wait3A_119] : memref<10240x64xbf16, #tpu.memory_space<vmem_shared>> -> memref<10240x64xbf16, #tpu.memory_space<vmem_shared>>
        tpu.wait_indirect_dma semaphore(%run_scoped3A_108 : memref<!tpu.dma_semaphore, #tpu.memory_space<semaphore_mem>>) src(%arg10 : memref<128x64xbf16, #tpu.memory_space<vmem>>) dst(%dma_wait3A_120 : memref<10240x64xbf16, #tpu.memory_space<vmem_shared>>)
        tpu.yield
      }) : () -> ()
      %add3A_96 = arith.constant 2 : i32
      %add3A_97 = arith.addi %add3A_85, %add3A_96 : i32
      %dma_start3A_98 = arith.constant 0 : i32
      %dma_start3A_99 = tpu.memref_slice %arg7[%add3A_97, %dma_start3A_98] : memref<158x128xi32, #tpu.memory_space<vmem>> -> memref<1x128xi32, #tpu.memory_space<vmem>>
      %dma_start3A_100 = tpu.memref_squeeze %dma_start3A_99 : memref<1x128xi32, #tpu.memory_space<vmem>> -> memref<128xi32, #tpu.memory_space<vmem>>
      %dma_start3A_101 = arith.constant 0 : i32
      %dma_start3A_102 = arith.constant 0 : i32
      %dma_start3A_103 = tpu.memref_slice %arg2[%arg0, %dma_start3A_101, %dma_start3A_102] : memref<2x10240x64xbf16, #tpu.memory_space<hbm>> -> memref<1x10240x64xbf16, #tpu.memory_space<hbm>>
      %dma_start3A_104 = tpu.memref_squeeze %dma_start3A_103 : memref<1x10240x64xbf16, #tpu.memory_space<hbm>> -> memref<10240x64xbf16, #tpu.memory_space<hbm>>
      %dma_start3A_105 = arith.constant 0 : i32
      %dma_start3A_106 = arith.constant 0 : i32
      %dma_start3A_107 = tpu.memref_slice %dma_start3A_104[%dma_start3A_105, %dma_start3A_106] : memref<10240x64xbf16, #tpu.memory_space<hbm>> -> memref<10240x64xbf16, #tpu.memory_space<hbm>>
      tpu.enqueue_indirect_dma source(%dma_start3A_107 : memref<10240x64xbf16, #tpu.memory_space<hbm>>) target(%arg10 : memref<128x64xbf16, #tpu.memory_space<vmem>>) offsets(%dma_start3A_100 : memref<128xi32, #tpu.memory_space<vmem>>) semaphore(%arg13 : memref<!tpu.dma_semaphore, #tpu.memory_space<semaphore_mem>>)
    }
    %scan3A_28 = arith.constant 78 : i32
    %dma_wait3A = arith.constant 156 : i32
    %dma_wait3A_29 = arith.constant 0 : i32
    %dma_wait3A_30 = tpu.memref_slice %arg7[%dma_wait3A, %dma_wait3A_29] : memref<158x128xi32, #tpu.memory_space<vmem>> -> memref<1x128xi32, #tpu.memory_space<vmem>>
    %dma_wait3A_31 = tpu.memref_squeeze %dma_wait3A_30 : memref<1x128xi32, #tpu.memory_space<vmem>> -> memref<128xi32, #tpu.memory_space<vmem>>
    %dma_wait3A_32 = arith.constant 0 : i32
    %dma_wait3A_33 = arith.constant 0 : i32
    %dma_wait3A_34 = tpu.memref_slice %arg2[%arg0, %dma_wait3A_32, %dma_wait3A_33] : memref<2x10240x64xbf16, #tpu.memory_space<hbm>> -> memref<1x10240x64xbf16, #tpu.memory_space<hbm>>
    %dma_wait3A_35 = tpu.memref_squeeze %dma_wait3A_34 : memref<1x10240x64xbf16, #tpu.memory_space<hbm>> -> memref<10240x64xbf16, #tpu.memory_space<hbm>>
    %dma_wait3A_36 = arith.constant 0 : i32
    %dma_wait3A_37 = arith.constant 0 : i32
    %dma_wait3A_38 = tpu.memref_slice %dma_wait3A_35[%dma_wait3A_36, %dma_wait3A_37] : memref<10240x64xbf16, #tpu.memory_space<hbm>> -> memref<10240x64xbf16, #tpu.memory_space<hbm>>
    tpu.wait_indirect_dma semaphore(%arg12 : memref<!tpu.dma_semaphore, #tpu.memory_space<semaphore_mem>>) src(%dma_wait3A_38 : memref<10240x64xbf16, #tpu.memory_space<hbm>>) dst(%arg9 : memref<128x64xbf16, #tpu.memory_space<vmem>>)
    %run_scoped3A = arith.constant 156 : i32
    "tpu.region"() ({
      %run_scoped3A_56 = tpu.sem_alloc : memref<!tpu.dma_semaphore, #tpu.memory_space<semaphore_mem>>
      %dma_start3A_57 = arith.constant 0 : i32
      %dma_start3A_58 = tpu.memref_slice %arg8[%run_scoped3A, %dma_start3A_57] : memref<158x128xi32, #tpu.memory_space<vmem>> -> memref<1x128xi32, #tpu.memory_space<vmem>>
      %dma_start3A_59 = tpu.memref_squeeze %dma_start3A_58 : memref<1x128xi32, #tpu.memory_space<vmem>> -> memref<128xi32, #tpu.memory_space<vmem>>
      %dma_start3A_60 = arith.constant 0 : i32
      %dma_start3A_61 = arith.constant 0 : i32
      %dma_start3A_62 = tpu.memref_slice %arg11[%dma_start3A_60, %dma_start3A_61] : memref<10240x64xbf16, #tpu.memory_space<vmem_shared>> -> memref<10240x64xbf16, #tpu.memory_space<vmem_shared>>
      tpu.enqueue_indirect_dma source(%arg9 : memref<128x64xbf16, #tpu.memory_space<vmem>>) target(%dma_start3A_62 : memref<10240x64xbf16, #tpu.memory_space<vmem_shared>>) offsets(%dma_start3A_59 : memref<128xi32, #tpu.memory_space<vmem>>) semaphore(%run_scoped3A_56 : memref<!tpu.dma_semaphore, #tpu.memory_space<semaphore_mem>>) {add = true}
      %dma_wait3A_63 = arith.constant 0 : i32
      %dma_wait3A_64 = tpu.memref_slice %arg8[%run_scoped3A, %dma_wait3A_63] : memref<158x128xi32, #tpu.memory_space<vmem>> -> memref<1x128xi32, #tpu.memory_space<vmem>>
      %dma_wait3A_65 = tpu.memref_squeeze %dma_wait3A_64 : memref<1x128xi32, #tpu.memory_space<vmem>> -> memref<128xi32, #tpu.memory_space<vmem>>
      %dma_wait3A_66 = arith.constant 0 : i32
      %dma_wait3A_67 = arith.constant 0 : i32
      %dma_wait3A_68 = tpu.memref_slice %arg11[%dma_wait3A_66, %dma_wait3A_67] : memref<10240x64xbf16, #tpu.memory_space<vmem_shared>> -> memref<10240x64xbf16, #tpu.memory_space<vmem_shared>>
      tpu.wait_indirect_dma semaphore(%run_scoped3A_56 : memref<!tpu.dma_semaphore, #tpu.memory_space<semaphore_mem>>) src(%arg9 : memref<128x64xbf16, #tpu.memory_space<vmem>>) dst(%dma_wait3A_68 : memref<10240x64xbf16, #tpu.memory_space<vmem_shared>>)
      tpu.yield
    }) : () -> ()
    %dma_wait3A_39 = arith.constant 157 : i32
    %dma_wait3A_40 = arith.constant 0 : i32
    %dma_wait3A_41 = tpu.memref_slice %arg7[%dma_wait3A_39, %dma_wait3A_40] : memref<158x128xi32, #tpu.memory_space<vmem>> -> memref<1x128xi32, #tpu.memory_space<vmem>>
    %dma_wait3A_42 = tpu.memref_squeeze %dma_wait3A_41 : memref<1x128xi32, #tpu.memory_space<vmem>> -> memref<128xi32, #tpu.memory_space<vmem>>
    %dma_wait3A_43 = arith.constant 0 : i32
    %dma_wait3A_44 = arith.constant 0 : i32
    %dma_wait3A_45 = tpu.memref_slice %arg2[%arg0, %dma_wait3A_43, %dma_wait3A_44] : memref<2x10240x64xbf16, #tpu.memory_space<hbm>> -> memref<1x10240x64xbf16, #tpu.memory_space<hbm>>
    %dma_wait3A_46 = tpu.memref_squeeze %dma_wait3A_45 : memref<1x10240x64xbf16, #tpu.memory_space<hbm>> -> memref<10240x64xbf16, #tpu.memory_space<hbm>>
    %dma_wait3A_47 = arith.constant 0 : i32
    %dma_wait3A_48 = arith.constant 0 : i32
    %dma_wait3A_49 = tpu.memref_slice %dma_wait3A_46[%dma_wait3A_47, %dma_wait3A_48] : memref<10240x64xbf16, #tpu.memory_space<hbm>> -> memref<10240x64xbf16, #tpu.memory_space<hbm>>
    tpu.wait_indirect_dma semaphore(%arg13 : memref<!tpu.dma_semaphore, #tpu.memory_space<semaphore_mem>>) src(%dma_wait3A_49 : memref<10240x64xbf16, #tpu.memory_space<hbm>>) dst(%arg10 : memref<128x64xbf16, #tpu.memory_space<vmem>>)
    %run_scoped3A_50 = arith.constant 157 : i32
    "tpu.region"() ({
      %run_scoped3A_56 = tpu.sem_alloc : memref<!tpu.dma_semaphore, #tpu.memory_space<semaphore_mem>>
      %dma_start3A_57 = arith.constant 0 : i32
      %dma_start3A_58 = tpu.memref_slice %arg8[%run_scoped3A_50, %dma_start3A_57] : memref<158x128xi32, #tpu.memory_space<vmem>> -> memref<1x128xi32, #tpu.memory_space<vmem>>
      %dma_start3A_59 = tpu.memref_squeeze %dma_start3A_58 : memref<1x128xi32, #tpu.memory_space<vmem>> -> memref<128xi32, #tpu.memory_space<vmem>>
      %dma_start3A_60 = arith.constant 0 : i32
      %dma_start3A_61 = arith.constant 0 : i32
      %dma_start3A_62 = tpu.memref_slice %arg11[%dma_start3A_60, %dma_start3A_61] : memref<10240x64xbf16, #tpu.memory_space<vmem_shared>> -> memref<10240x64xbf16, #tpu.memory_space<vmem_shared>>
      tpu.enqueue_indirect_dma source(%arg10 : memref<128x64xbf16, #tpu.memory_space<vmem>>) target(%dma_start3A_62 : memref<10240x64xbf16, #tpu.memory_space<vmem_shared>>) offsets(%dma_start3A_59 : memref<128xi32, #tpu.memory_space<vmem>>) semaphore(%run_scoped3A_56 : memref<!tpu.dma_semaphore, #tpu.memory_space<semaphore_mem>>) {add = true}
      %dma_wait3A_63 = arith.constant 0 : i32
      %dma_wait3A_64 = tpu.memref_slice %arg8[%run_scoped3A_50, %dma_wait3A_63] : memref<158x128xi32, #tpu.memory_space<vmem>> -> memref<1x128xi32, #tpu.memory_space<vmem>>
      %dma_wait3A_65 = tpu.memref_squeeze %dma_wait3A_64 : memref<1x128xi32, #tpu.memory_space<vmem>> -> memref<128xi32, #tpu.memory_space<vmem>>
      %dma_wait3A_66 = arith.constant 0 : i32
      %dma_wait3A_67 = arith.constant 0 : i32
      %dma_wait3A_68 = tpu.memref_slice %arg11[%dma_wait3A_66, %dma_wait3A_67] : memref<10240x64xbf16, #tpu.memory_space<vmem_shared>> -> memref<10240x64xbf16, #tpu.memory_space<vmem_shared>>
      tpu.wait_indirect_dma semaphore(%run_scoped3A_56 : memref<!tpu.dma_semaphore, #tpu.memory_space<semaphore_mem>>) src(%arg10 : memref<128x64xbf16, #tpu.memory_space<vmem>>) dst(%dma_wait3A_68 : memref<10240x64xbf16, #tpu.memory_space<vmem_shared>>)
      tpu.yield
    }) : () -> ()
    %barrier3A_51 = arith.constant 0 : index
    tpu.barrier barrier_id(%barrier3A_51)
    %mul3A_52 = arith.constant 640 : i32
    %mul3A_53 = arith.muli %arg1, %mul3A_52 : i32
    %mul3A_54 = arith.constant 640 : i32
    %mul3A_55 = arith.muli %arg1, %mul3A_54 : i32
    "tpu.region"() ({
      %run_scoped3A_56 = tpu.sem_alloc : memref<!tpu.dma_semaphore, #tpu.memory_space<semaphore_mem>>
      %dma_start3A_57 = arith.constant 0 : i32
      %dma_start3A_58 = tpu.memref_slice %arg6[%arg0, %mul3A_55, %dma_start3A_57] : memref<2x10240x64xbf16, #tpu.memory_space<hbm>> -> memref<1x640x64xbf16, #tpu.memory_space<hbm>>
      %dma_start3A_59 = tpu.memref_squeeze %dma_start3A_58 : memref<1x640x64xbf16, #tpu.memory_space<hbm>> -> memref<640x64xbf16, #tpu.memory_space<hbm>>
      %dma_start3A_60 = arith.constant 0 : i32
      %dma_start3A_61 = tpu.memref_slice %arg11[%mul3A_53, %dma_start3A_60] : memref<10240x64xbf16, #tpu.memory_space<vmem_shared>> -> memref<640x64xbf16, #tpu.memory_space<vmem_shared>>
      tpu.enqueue_dma source(%dma_start3A_61 : memref<640x64xbf16, #tpu.memory_space<vmem_shared>>) target(%dma_start3A_59 : memref<640x64xbf16, #tpu.memory_space<hbm>>) target_semaphore(%run_scoped3A_56 : memref<!tpu.dma_semaphore, #tpu.memory_space<semaphore_mem>>)
      %dma_wait3A_62 = arith.constant 0 : i32
      %dma_wait3A_63 = tpu.memref_slice %arg6[%arg0, %mul3A_55, %dma_wait3A_62] : memref<2x10240x64xbf16, #tpu.memory_space<hbm>> -> memref<1x640x64xbf16, #tpu.memory_space<hbm>>
      %dma_wait3A_64 = tpu.memref_squeeze %dma_wait3A_63 : memref<1x640x64xbf16, #tpu.memory_space<hbm>> -> memref<640x64xbf16, #tpu.memory_space<hbm>>
      %dma_wait3A_65 = arith.constant 0 : i32
      %dma_wait3A_66 = tpu.memref_slice %arg11[%mul3A_53, %dma_wait3A_65] : memref<10240x64xbf16, #tpu.memory_space<vmem_shared>> -> memref<640x64xbf16, #tpu.memory_space<vmem_shared>>
      tpu.wait_dma2 semaphore(%run_scoped3A_56 : memref<!tpu.dma_semaphore, #tpu.memory_space<semaphore_mem>>) src(%dma_wait3A_66 : memref<640x64xbf16, #tpu.memory_space<vmem_shared>>) dst(%dma_wait3A_64 : memref<640x64xbf16, #tpu.memory_space<hbm>>)
      tpu.yield
    }) : () -> ()
    return
  }
}

#map = affine_map<(d0, d1) -> (0, 0, 0)>
#map1 = affine_map<(d0, d1) -> (0, 0)>
module attributes {stable_mosaic.version = 14 : i64} {
  func.func @_deg_kernel(%arg0: i32, %arg1: i32, %arg2: memref<32x79x128xi32, #tpu.memory_space<hbm>>, %arg3: memref<128x64xf32, #tpu.memory_space<hbm>>, %arg4: memref<10240x64xf32, #tpu.memory_space<hbm>>, %arg5: memref<2x10240x64xf32, #tpu.memory_space<hbm>>, %arg6: memref<79x128xi32, #tpu.memory_space<vmem>>, %arg7: memref<128x64xf32, #tpu.memory_space<vmem>>, %arg8: memref<10240x64xf32, #tpu.memory_space<vmem_shared>>) attributes {dimension_semantics = [#tpu.dimension_semantics<core_parallel>, #tpu.dimension_semantics<subcore_parallel>], iteration_bounds = array<i64: 2, 16>, scalar_prefetch = 0 : i64, scratch_operands = 3 : i64, tpu.core_type = #tpu.core_type<sc_vector_subcore>, window_params = [{transform_indices = #map}, {transform_indices = #map1}, {transform_indices = #map1}, {transform_indices = #map}]} {
    %mul3A = arith.constant 16 : i32
    %mul3A_0 = arith.muli %arg0, %mul3A : i32
    %add3A = arith.addi %mul3A_0, %arg1 : i32
    "tpu.region"() ({
      %run_scoped3A = tpu.sem_alloc : memref<!tpu.dma_semaphore, #tpu.memory_space<semaphore_mem>>
      %dma_start3A = arith.constant 0 : i32
      %dma_start3A_15 = arith.constant 0 : i32
      %dma_start3A_16 = tpu.memref_slice %arg2[%add3A, %dma_start3A, %dma_start3A_15] : memref<32x79x128xi32, #tpu.memory_space<hbm>> -> memref<1x79x128xi32, #tpu.memory_space<hbm>>
      %dma_start3A_17 = tpu.memref_squeeze %dma_start3A_16 : memref<1x79x128xi32, #tpu.memory_space<hbm>> -> memref<79x128xi32, #tpu.memory_space<hbm>>
      %dma_start3A_18 = arith.constant 0 : i32
      %dma_start3A_19 = arith.constant 0 : i32
      %dma_start3A_20 = tpu.memref_slice %arg2[%add3A, %dma_start3A_18, %dma_start3A_19] : memref<32x79x128xi32, #tpu.memory_space<hbm>> -> memref<1x79x128xi32, #tpu.memory_space<hbm>>
      %dma_start3A_21 = tpu.memref_squeeze %dma_start3A_20 : memref<1x79x128xi32, #tpu.memory_space<hbm>> -> memref<79x128xi32, #tpu.memory_space<hbm>>
      tpu.enqueue_dma source(%dma_start3A_21 : memref<79x128xi32, #tpu.memory_space<hbm>>) target(%arg6 : memref<79x128xi32, #tpu.memory_space<vmem>>) target_semaphore(%run_scoped3A : memref<!tpu.dma_semaphore, #tpu.memory_space<semaphore_mem>>)
      %dma_wait3A = arith.constant 0 : i32
      %dma_wait3A_22 = arith.constant 0 : i32
      %dma_wait3A_23 = tpu.memref_slice %arg2[%add3A, %dma_wait3A, %dma_wait3A_22] : memref<32x79x128xi32, #tpu.memory_space<hbm>> -> memref<1x79x128xi32, #tpu.memory_space<hbm>>
      %dma_wait3A_24 = tpu.memref_squeeze %dma_wait3A_23 : memref<1x79x128xi32, #tpu.memory_space<hbm>> -> memref<79x128xi32, #tpu.memory_space<hbm>>
      %dma_wait3A_25 = arith.constant 0 : i32
      %dma_wait3A_26 = arith.constant 0 : i32
      %dma_wait3A_27 = tpu.memref_slice %arg2[%add3A, %dma_wait3A_25, %dma_wait3A_26] : memref<32x79x128xi32, #tpu.memory_space<hbm>> -> memref<1x79x128xi32, #tpu.memory_space<hbm>>
      %dma_wait3A_28 = tpu.memref_squeeze %dma_wait3A_27 : memref<1x79x128xi32, #tpu.memory_space<hbm>> -> memref<79x128xi32, #tpu.memory_space<hbm>>
      tpu.wait_dma2 semaphore(%run_scoped3A : memref<!tpu.dma_semaphore, #tpu.memory_space<semaphore_mem>>) src(%dma_wait3A_28 : memref<79x128xi32, #tpu.memory_space<hbm>>) dst(%arg6 : memref<79x128xi32, #tpu.memory_space<vmem>>)
      tpu.yield
    }) : () -> ()
    "tpu.region"() ({
      %run_scoped3A = tpu.sem_alloc : memref<!tpu.dma_semaphore, #tpu.memory_space<semaphore_mem>>
      tpu.enqueue_dma source(%arg3 : memref<128x64xf32, #tpu.memory_space<hbm>>) target(%arg7 : memref<128x64xf32, #tpu.memory_space<vmem>>) target_semaphore(%run_scoped3A : memref<!tpu.dma_semaphore, #tpu.memory_space<semaphore_mem>>)
      tpu.wait_dma2 semaphore(%run_scoped3A : memref<!tpu.dma_semaphore, #tpu.memory_space<semaphore_mem>>) src(%arg3 : memref<128x64xf32, #tpu.memory_space<hbm>>) dst(%arg7 : memref<128x64xf32, #tpu.memory_space<vmem>>)
      tpu.yield
    }) : () -> ()
    %mul3A_1 = arith.constant 640 : i32
    %mul3A_2 = arith.muli %arg1, %mul3A_1 : i32
    %mul3A_3 = arith.constant 640 : i32
    %mul3A_4 = arith.muli %arg1, %mul3A_3 : i32
    "tpu.region"() ({
      %run_scoped3A = tpu.sem_alloc : memref<!tpu.dma_semaphore, #tpu.memory_space<semaphore_mem>>
      %dma_start3A = arith.constant 0 : i32
      %dma_start3A_15 = tpu.memref_slice %arg8[%mul3A_4, %dma_start3A] : memref<10240x64xf32, #tpu.memory_space<vmem_shared>> -> memref<640x64xf32, #tpu.memory_space<vmem_shared>>
      %dma_start3A_16 = arith.constant 0 : i32
      %dma_start3A_17 = tpu.memref_slice %arg4[%mul3A_2, %dma_start3A_16] : memref<10240x64xf32, #tpu.memory_space<hbm>> -> memref<640x64xf32, #tpu.memory_space<hbm>>
      tpu.enqueue_dma source(%dma_start3A_17 : memref<640x64xf32, #tpu.memory_space<hbm>>) target(%dma_start3A_15 : memref<640x64xf32, #tpu.memory_space<vmem_shared>>) target_semaphore(%run_scoped3A : memref<!tpu.dma_semaphore, #tpu.memory_space<semaphore_mem>>)
      %dma_wait3A = arith.constant 0 : i32
      %dma_wait3A_18 = tpu.memref_slice %arg8[%mul3A_4, %dma_wait3A] : memref<10240x64xf32, #tpu.memory_space<vmem_shared>> -> memref<640x64xf32, #tpu.memory_space<vmem_shared>>
      %dma_wait3A_19 = arith.constant 0 : i32
      %dma_wait3A_20 = tpu.memref_slice %arg4[%mul3A_2, %dma_wait3A_19] : memref<10240x64xf32, #tpu.memory_space<hbm>> -> memref<640x64xf32, #tpu.memory_space<hbm>>
      tpu.wait_dma2 semaphore(%run_scoped3A : memref<!tpu.dma_semaphore, #tpu.memory_space<semaphore_mem>>) src(%dma_wait3A_20 : memref<640x64xf32, #tpu.memory_space<hbm>>) dst(%dma_wait3A_18 : memref<640x64xf32, #tpu.memory_space<vmem_shared>>)
      tpu.yield
    }) : () -> ()
    %barrier3A = arith.constant 0 : index
    tpu.barrier barrier_id(%barrier3A)
    %scan3A = arith.constant 0 : i32
    %scan3A_5 = arith.constant 0 : i32
    %scan3A_6 = arith.constant 79 : i32
    %scan3A_7 = arith.addi %scan3A_5, %scan3A_6 : i32
    %scan3A_8 = arith.constant 1 : i32
    scf.for %scan3A_15 = %scan3A_5 to %scan3A_7 step %scan3A_8  : i32 {
      "tpu.region"() ({
        %run_scoped3A = tpu.sem_alloc : memref<!tpu.dma_semaphore, #tpu.memory_space<semaphore_mem>>
        %dma_start3A = arith.constant 0 : i32
        %dma_start3A_16 = tpu.memref_slice %arg6[%scan3A_15, %dma_start3A] : memref<79x128xi32, #tpu.memory_space<vmem>> -> memref<1x128xi32, #tpu.memory_space<vmem>>
        %dma_start3A_17 = tpu.memref_squeeze %dma_start3A_16 : memref<1x128xi32, #tpu.memory_space<vmem>> -> memref<128xi32, #tpu.memory_space<vmem>>
        %dma_start3A_18 = arith.constant 0 : i32
        %dma_start3A_19 = arith.constant 0 : i32
        %dma_start3A_20 = tpu.memref_slice %arg8[%dma_start3A_18, %dma_start3A_19] : memref<10240x64xf32, #tpu.memory_space<vmem_shared>> -> memref<10240x64xf32, #tpu.memory_space<vmem_shared>>
        tpu.enqueue_indirect_dma source(%arg7 : memref<128x64xf32, #tpu.memory_space<vmem>>) target(%dma_start3A_20 : memref<10240x64xf32, #tpu.memory_space<vmem_shared>>) offsets(%dma_start3A_17 : memref<128xi32, #tpu.memory_space<vmem>>) semaphore(%run_scoped3A : memref<!tpu.dma_semaphore, #tpu.memory_space<semaphore_mem>>) {add = true}
        %dma_wait3A = arith.constant 0 : i32
        %dma_wait3A_21 = tpu.memref_slice %arg6[%scan3A_15, %dma_wait3A] : memref<79x128xi32, #tpu.memory_space<vmem>> -> memref<1x128xi32, #tpu.memory_space<vmem>>
        %dma_wait3A_22 = tpu.memref_squeeze %dma_wait3A_21 : memref<1x128xi32, #tpu.memory_space<vmem>> -> memref<128xi32, #tpu.memory_space<vmem>>
        %dma_wait3A_23 = arith.constant 0 : i32
        %dma_wait3A_24 = arith.constant 0 : i32
        %dma_wait3A_25 = tpu.memref_slice %arg8[%dma_wait3A_23, %dma_wait3A_24] : memref<10240x64xf32, #tpu.memory_space<vmem_shared>> -> memref<10240x64xf32, #tpu.memory_space<vmem_shared>>
        tpu.wait_indirect_dma semaphore(%run_scoped3A : memref<!tpu.dma_semaphore, #tpu.memory_space<semaphore_mem>>) src(%arg7 : memref<128x64xf32, #tpu.memory_space<vmem>>) dst(%dma_wait3A_25 : memref<10240x64xf32, #tpu.memory_space<vmem_shared>>)
        tpu.yield
      }) : () -> ()
    }
    %scan3A_9 = arith.constant 79 : i32
    %barrier3A_10 = arith.constant 0 : index
    tpu.barrier barrier_id(%barrier3A_10)
    %mul3A_11 = arith.constant 640 : i32
    %mul3A_12 = arith.muli %arg1, %mul3A_11 : i32
    %mul3A_13 = arith.constant 640 : i32
    %mul3A_14 = arith.muli %arg1, %mul3A_13 : i32
    "tpu.region"() ({
      %run_scoped3A = tpu.sem_alloc : memref<!tpu.dma_semaphore, #tpu.memory_space<semaphore_mem>>
      %dma_start3A = arith.constant 0 : i32
      %dma_start3A_15 = tpu.memref_slice %arg5[%arg0, %mul3A_14, %dma_start3A] : memref<2x10240x64xf32, #tpu.memory_space<hbm>> -> memref<1x640x64xf32, #tpu.memory_space<hbm>>
      %dma_start3A_16 = tpu.memref_squeeze %dma_start3A_15 : memref<1x640x64xf32, #tpu.memory_space<hbm>> -> memref<640x64xf32, #tpu.memory_space<hbm>>
      %dma_start3A_17 = arith.constant 0 : i32
      %dma_start3A_18 = tpu.memref_slice %arg8[%mul3A_12, %dma_start3A_17] : memref<10240x64xf32, #tpu.memory_space<vmem_shared>> -> memref<640x64xf32, #tpu.memory_space<vmem_shared>>
      tpu.enqueue_dma source(%dma_start3A_18 : memref<640x64xf32, #tpu.memory_space<vmem_shared>>) target(%dma_start3A_16 : memref<640x64xf32, #tpu.memory_space<hbm>>) target_semaphore(%run_scoped3A : memref<!tpu.dma_semaphore, #tpu.memory_space<semaphore_mem>>)
      %dma_wait3A = arith.constant 0 : i32
      %dma_wait3A_19 = tpu.memref_slice %arg5[%arg0, %mul3A_14, %dma_wait3A] : memref<2x10240x64xf32, #tpu.memory_space<hbm>> -> memref<1x640x64xf32, #tpu.memory_space<hbm>>
      %dma_wait3A_20 = tpu.memref_squeeze %dma_wait3A_19 : memref<1x640x64xf32, #tpu.memory_space<hbm>> -> memref<640x64xf32, #tpu.memory_space<hbm>>
      %dma_wait3A_21 = arith.constant 0 : i32
      %dma_wait3A_22 = tpu.memref_slice %arg8[%mul3A_12, %dma_wait3A_21] : memref<10240x64xf32, #tpu.memory_space<vmem_shared>> -> memref<640x64xf32, #tpu.memory_space<vmem_shared>>
      tpu.wait_dma2 semaphore(%run_scoped3A : memref<!tpu.dma_semaphore, #tpu.memory_space<semaphore_mem>>) src(%dma_wait3A_22 : memref<640x64xf32, #tpu.memory_space<vmem_shared>>) dst(%dma_wait3A_20 : memref<640x64xf32, #tpu.memory_space<hbm>>)
      tpu.yield
    }) : () -> ()
    return
  }
}

#map = affine_map<(d0, d1) -> (0, 0, 0)>
#map1 = affine_map<(d0, d1) -> (0, 0)>
module attributes {stable_mosaic.version = 14 : i64} {
  func.func @scatter(%arg0: i32, %arg1: i32, %arg2: memref<2x10240x64xbf16, #tpu.memory_space<hbm>>, %arg3: memref<16x158x128xi32, #tpu.memory_space<hbm>>, %arg4: memref<16x158x128xi32, #tpu.memory_space<hbm>>, %arg5: memref<10240x64xbf16, #tpu.memory_space<hbm>>, %arg6: memref<2x10240x64xbf16, #tpu.memory_space<hbm>>, %arg7: memref<158x128xi32, #tpu.memory_space<vmem>>, %arg8: memref<158x128xi32, #tpu.memory_space<vmem>>, %arg9: memref<128x64xbf16, #tpu.memory_space<vmem>>, %arg10: memref<128x64xbf16, #tpu.memory_space<vmem>>, %arg11: memref<10240x64xbf16, #tpu.memory_space<vmem_shared>>, %arg12: memref<!tpu.dma_semaphore, #tpu.memory_space<semaphore_mem>>, %arg13: memref<!tpu.dma_semaphore, #tpu.memory_space<semaphore_mem>>) attributes {dimension_semantics = [#tpu.dimension_semantics<core_parallel>, #tpu.dimension_semantics<subcore_parallel>], iteration_bounds = array<i64: 2, 16>, scalar_prefetch = 0 : i64, scratch_operands = 7 : i64, tpu.core_type = #tpu.core_type<sc_vector_subcore>, window_params = [{transform_indices = #map}, {transform_indices = #map}, {transform_indices = #map}, {transform_indices = #map1}, {transform_indices = #map}]} {
    "tpu.region"() ({
      %run_scoped3A_56 = tpu.sem_alloc : memref<!tpu.dma_semaphore, #tpu.memory_space<semaphore_mem>>
      %dma_start3A_57 = arith.constant 0 : i32
      %dma_start3A_58 = arith.constant 0 : i32
      %dma_start3A_59 = tpu.memref_slice %arg3[%arg1, %dma_start3A_57, %dma_start3A_58] : memref<16x158x128xi32, #tpu.memory_space<hbm>> -> memref<1x158x128xi32, #tpu.memory_space<hbm>>
      %dma_start3A_60 = tpu.memref_squeeze %dma_start3A_59 : memref<1x158x128xi32, #tpu.memory_space<hbm>> -> memref<158x128xi32, #tpu.memory_space<hbm>>
      %dma_start3A_61 = arith.constant 0 : i32
      %dma_start3A_62 = arith.constant 0 : i32
      %dma_start3A_63 = tpu.memref_slice %arg3[%arg1, %dma_start3A_61, %dma_start3A_62] : memref<16x158x128xi32, #tpu.memory_space<hbm>> -> memref<1x158x128xi32, #tpu.memory_space<hbm>>
      %dma_start3A_64 = tpu.memref_squeeze %dma_start3A_63 : memref<1x158x128xi32, #tpu.memory_space<hbm>> -> memref<158x128xi32, #tpu.memory_space<hbm>>
      tpu.enqueue_dma source(%dma_start3A_64 : memref<158x128xi32, #tpu.memory_space<hbm>>) target(%arg7 : memref<158x128xi32, #tpu.memory_space<vmem>>) target_semaphore(%run_scoped3A_56 : memref<!tpu.dma_semaphore, #tpu.memory_space<semaphore_mem>>)
      %dma_wait3A_65 = arith.constant 0 : i32
      %dma_wait3A_66 = arith.constant 0 : i32
      %dma_wait3A_67 = tpu.memref_slice %arg3[%arg1, %dma_wait3A_65, %dma_wait3A_66] : memref<16x158x128xi32, #tpu.memory_space<hbm>> -> memref<1x158x128xi32, #tpu.memory_space<hbm>>
      %dma_wait3A_68 = tpu.memref_squeeze %dma_wait3A_67 : memref<1x158x128xi32, #tpu.memory_space<hbm>> -> memref<158x128xi32, #tpu.memory_space<hbm>>
      %dma_wait3A_69 = arith.constant 0 : i32
      %dma_wait3A_70 = arith.constant 0 : i32
      %dma_wait3A_71 = tpu.memref_slice %arg3[%arg1, %dma_wait3A_69, %dma_wait3A_70] : memref<16x158x128xi32, #tpu.memory_space<hbm>> -> memref<1x158x128xi32, #tpu.memory_space<hbm>>
      %dma_wait3A_72 = tpu.memref_squeeze %dma_wait3A_71 : memref<1x158x128xi32, #tpu.memory_space<hbm>> -> memref<158x128xi32, #tpu.memory_space<hbm>>
      tpu.wait_dma2 semaphore(%run_scoped3A_56 : memref<!tpu.dma_semaphore, #tpu.memory_space<semaphore_mem>>) src(%dma_wait3A_72 : memref<158x128xi32, #tpu.memory_space<hbm>>) dst(%arg7 : memref<158x128xi32, #tpu.memory_space<vmem>>)
      tpu.yield
    }) : () -> ()
    "tpu.region"() ({
      %run_scoped3A_56 = tpu.sem_alloc : memref<!tpu.dma_semaphore, #tpu.memory_space<semaphore_mem>>
      %dma_start3A_57 = arith.constant 0 : i32
      %dma_start3A_58 = arith.constant 0 : i32
      %dma_start3A_59 = tpu.memref_slice %arg4[%arg1, %dma_start3A_57, %dma_start3A_58] : memref<16x158x128xi32, #tpu.memory_space<hbm>> -> memref<1x158x128xi32, #tpu.memory_space<hbm>>
      %dma_start3A_60 = tpu.memref_squeeze %dma_start3A_59 : memref<1x158x128xi32, #tpu.memory_space<hbm>> -> memref<158x128xi32, #tpu.memory_space<hbm>>
      %dma_start3A_61 = arith.constant 0 : i32
      %dma_start3A_62 = arith.constant 0 : i32
      %dma_start3A_63 = tpu.memref_slice %arg4[%arg1, %dma_start3A_61, %dma_start3A_62] : memref<16x158x128xi32, #tpu.memory_space<hbm>> -> memref<1x158x128xi32, #tpu.memory_space<hbm>>
      %dma_start3A_64 = tpu.memref_squeeze %dma_start3A_63 : memref<1x158x128xi32, #tpu.memory_space<hbm>> -> memref<158x128xi32, #tpu.memory_space<hbm>>
      tpu.enqueue_dma source(%dma_start3A_64 : memref<158x128xi32, #tpu.memory_space<hbm>>) target(%arg8 : memref<158x128xi32, #tpu.memory_space<vmem>>) target_semaphore(%run_scoped3A_56 : memref<!tpu.dma_semaphore, #tpu.memory_space<semaphore_mem>>)
      %dma_wait3A_65 = arith.constant 0 : i32
      %dma_wait3A_66 = arith.constant 0 : i32
      %dma_wait3A_67 = tpu.memref_slice %arg4[%arg1, %dma_wait3A_65, %dma_wait3A_66] : memref<16x158x128xi32, #tpu.memory_space<hbm>> -> memref<1x158x128xi32, #tpu.memory_space<hbm>>
      %dma_wait3A_68 = tpu.memref_squeeze %dma_wait3A_67 : memref<1x158x128xi32, #tpu.memory_space<hbm>> -> memref<158x128xi32, #tpu.memory_space<hbm>>
      %dma_wait3A_69 = arith.constant 0 : i32
      %dma_wait3A_70 = arith.constant 0 : i32
      %dma_wait3A_71 = tpu.memref_slice %arg4[%arg1, %dma_wait3A_69, %dma_wait3A_70] : memref<16x158x128xi32, #tpu.memory_space<hbm>> -> memref<1x158x128xi32, #tpu.memory_space<hbm>>
      %dma_wait3A_72 = tpu.memref_squeeze %dma_wait3A_71 : memref<1x158x128xi32, #tpu.memory_space<hbm>> -> memref<158x128xi32, #tpu.memory_space<hbm>>
      tpu.wait_dma2 semaphore(%run_scoped3A_56 : memref<!tpu.dma_semaphore, #tpu.memory_space<semaphore_mem>>) src(%dma_wait3A_72 : memref<158x128xi32, #tpu.memory_space<hbm>>) dst(%arg8 : memref<158x128xi32, #tpu.memory_space<vmem>>)
      tpu.yield
    }) : () -> ()
    %mul3A = arith.constant 640 : i32
    %mul3A_0 = arith.muli %arg1, %mul3A : i32
    %mul3A_1 = arith.constant 640 : i32
    %mul3A_2 = arith.muli %arg1, %mul3A_1 : i32
    "tpu.region"() ({
      %run_scoped3A_56 = tpu.sem_alloc : memref<!tpu.dma_semaphore, #tpu.memory_space<semaphore_mem>>
      %dma_start3A_57 = arith.constant 0 : i32
      %dma_start3A_58 = tpu.memref_slice %arg11[%mul3A_2, %dma_start3A_57] : memref<10240x64xbf16, #tpu.memory_space<vmem_shared>> -> memref<640x64xbf16, #tpu.memory_space<vmem_shared>>
      %dma_start3A_59 = arith.constant 0 : i32
      %dma_start3A_60 = tpu.memref_slice %arg5[%mul3A_0, %dma_start3A_59] : memref<10240x64xbf16, #tpu.memory_space<hbm>> -> memref<640x64xbf16, #tpu.memory_space<hbm>>
      tpu.enqueue_dma source(%dma_start3A_60 : memref<640x64xbf16, #tpu.memory_space<hbm>>) target(%dma_start3A_58 : memref<640x64xbf16, #tpu.memory_space<vmem_shared>>) target_semaphore(%run_scoped3A_56 : memref<!tpu.dma_semaphore, #tpu.memory_space<semaphore_mem>>)
      %dma_wait3A_61 = arith.constant 0 : i32
      %dma_wait3A_62 = tpu.memref_slice %arg11[%mul3A_2, %dma_wait3A_61] : memref<10240x64xbf16, #tpu.memory_space<vmem_shared>> -> memref<640x64xbf16, #tpu.memory_space<vmem_shared>>
      %dma_wait3A_63 = arith.constant 0 : i32
      %dma_wait3A_64 = tpu.memref_slice %arg5[%mul3A_0, %dma_wait3A_63] : memref<10240x64xbf16, #tpu.memory_space<hbm>> -> memref<640x64xbf16, #tpu.memory_space<hbm>>
      tpu.wait_dma2 semaphore(%run_scoped3A_56 : memref<!tpu.dma_semaphore, #tpu.memory_space<semaphore_mem>>) src(%dma_wait3A_64 : memref<640x64xbf16, #tpu.memory_space<hbm>>) dst(%dma_wait3A_62 : memref<640x64xbf16, #tpu.memory_space<vmem_shared>>)
      tpu.yield
    }) : () -> ()
    %barrier3A = arith.constant 0 : index
    tpu.barrier barrier_id(%barrier3A)
    %dma_start3A = arith.constant 0 : i32
    %dma_start3A_3 = arith.constant 0 : i32
    %dma_start3A_4 = tpu.memref_slice %arg7[%dma_start3A, %dma_start3A_3] : memref<158x128xi32, #tpu.memory_space<vmem>> -> memref<1x128xi32, #tpu.memory_space<vmem>>
    %dma_start3A_5 = tpu.memref_squeeze %dma_start3A_4 : memref<1x128xi32, #tpu.memory_space<vmem>> -> memref<128xi32, #tpu.memory_space<vmem>>
    %dma_start3A_6 = arith.constant 0 : i32
    %dma_start3A_7 = arith.constant 0 : i32
    %dma_start3A_8 = tpu.memref_slice %arg2[%arg0, %dma_start3A_6, %dma_start3A_7] : memref<2x10240x64xbf16, #tpu.memory_space<hbm>> -> memref<1x10240x64xbf16, #tpu.memory_space<hbm>>
    %dma_start3A_9 = tpu.memref_squeeze %dma_start3A_8 : memref<1x10240x64xbf16, #tpu.memory_space<hbm>> -> memref<10240x64xbf16, #tpu.memory_space<hbm>>
    %dma_start3A_10 = arith.constant 0 : i32
    %dma_start3A_11 = arith.constant 0 : i32
    %dma_start3A_12 = tpu.memref_slice %dma_start3A_9[%dma_start3A_10, %dma_start3A_11] : memref<10240x64xbf16, #tpu.memory_space<hbm>> -> memref<10240x64xbf16, #tpu.memory_space<hbm>>
    tpu.enqueue_indirect_dma source(%dma_start3A_12 : memref<10240x64xbf16, #tpu.memory_space<hbm>>) target(%arg9 : memref<128x64xbf16, #tpu.memory_space<vmem>>) offsets(%dma_start3A_5 : memref<128xi32, #tpu.memory_space<vmem>>) semaphore(%arg12 : memref<!tpu.dma_semaphore, #tpu.memory_space<semaphore_mem>>)
    %dma_start3A_13 = arith.constant 1 : i32
    %dma_start3A_14 = arith.constant 0 : i32
    %dma_start3A_15 = tpu.memref_slice %arg7[%dma_start3A_13, %dma_start3A_14] : memref<158x128xi32, #tpu.memory_space<vmem>> -> memref<1x128xi32, #tpu.memory_space<vmem>>
    %dma_start3A_16 = tpu.memref_squeeze %dma_start3A_15 : memref<1x128xi32, #tpu.memory_space<vmem>> -> memref<128xi32, #tpu.memory_space<vmem>>
    %dma_start3A_17 = arith.constant 0 : i32
    %dma_start3A_18 = arith.constant 0 : i32
    %dma_start3A_19 = tpu.memref_slice %arg2[%arg0, %dma_start3A_17, %dma_start3A_18] : memref<2x10240x64xbf16, #tpu.memory_space<hbm>> -> memref<1x10240x64xbf16, #tpu.memory_space<hbm>>
    %dma_start3A_20 = tpu.memref_squeeze %dma_start3A_19 : memref<1x10240x64xbf16, #tpu.memory_space<hbm>> -> memref<10240x64xbf16, #tpu.memory_space<hbm>>
    %dma_start3A_21 = arith.constant 0 : i32
    %dma_start3A_22 = arith.constant 0 : i32
    %dma_start3A_23 = tpu.memref_slice %dma_start3A_20[%dma_start3A_21, %dma_start3A_22] : memref<10240x64xbf16, #tpu.memory_space<hbm>> -> memref<10240x64xbf16, #tpu.memory_space<hbm>>
    tpu.enqueue_indirect_dma source(%dma_start3A_23 : memref<10240x64xbf16, #tpu.memory_space<hbm>>) target(%arg10 : memref<128x64xbf16, #tpu.memory_space<vmem>>) offsets(%dma_start3A_16 : memref<128xi32, #tpu.memory_space<vmem>>) semaphore(%arg13 : memref<!tpu.dma_semaphore, #tpu.memory_space<semaphore_mem>>)
    %scan3A = arith.constant 0 : i32
    %scan3A_24 = arith.constant 0 : i32
    %scan3A_25 = arith.constant 78 : i32
    %scan3A_26 = arith.addi %scan3A_24, %scan3A_25 : i32
    %scan3A_27 = arith.constant 1 : i32
    scf.for %scan3A_56 = %scan3A_24 to %scan3A_26 step %scan3A_27  : i32 {
      %mul3A_57 = arith.constant 2 : i32
      %mul3A_58 = arith.muli %scan3A_56, %mul3A_57 : i32
      %add3A = arith.constant 0 : i32
      %add3A_59 = arith.addi %mul3A_58, %add3A : i32
      %dma_wait3A_60 = arith.constant 0 : i32
      %dma_wait3A_61 = tpu.memref_slice %arg7[%add3A_59, %dma_wait3A_60] : memref<158x128xi32, #tpu.memory_space<vmem>> -> memref<1x128xi32, #tpu.memory_space<vmem>>
      %dma_wait3A_62 = tpu.memref_squeeze %dma_wait3A_61 : memref<1x128xi32, #tpu.memory_space<vmem>> -> memref<128xi32, #tpu.memory_space<vmem>>
      %dma_wait3A_63 = arith.constant 0 : i32
      %dma_wait3A_64 = arith.constant 0 : i32
      %dma_wait3A_65 = tpu.memref_slice %arg2[%arg0, %dma_wait3A_63, %dma_wait3A_64] : memref<2x10240x64xbf16, #tpu.memory_space<hbm>> -> memref<1x10240x64xbf16, #tpu.memory_space<hbm>>
      %dma_wait3A_66 = tpu.memref_squeeze %dma_wait3A_65 : memref<1x10240x64xbf16, #tpu.memory_space<hbm>> -> memref<10240x64xbf16, #tpu.memory_space<hbm>>
      %dma_wait3A_67 = arith.constant 0 : i32
      %dma_wait3A_68 = arith.constant 0 : i32
      %dma_wait3A_69 = tpu.memref_slice %dma_wait3A_66[%dma_wait3A_67, %dma_wait3A_68] : memref<10240x64xbf16, #tpu.memory_space<hbm>> -> memref<10240x64xbf16, #tpu.memory_space<hbm>>
      tpu.wait_indirect_dma semaphore(%arg12 : memref<!tpu.dma_semaphore, #tpu.memory_space<semaphore_mem>>) src(%dma_wait3A_69 : memref<10240x64xbf16, #tpu.memory_space<hbm>>) dst(%arg9 : memref<128x64xbf16, #tpu.memory_space<vmem>>)
      "tpu.region"() ({
        %run_scoped3A_108 = tpu.sem_alloc : memref<!tpu.dma_semaphore, #tpu.memory_space<semaphore_mem>>
        %dma_start3A_109 = arith.constant 0 : i32
        %dma_start3A_110 = tpu.memref_slice %arg8[%add3A_59, %dma_start3A_109] : memref<158x128xi32, #tpu.memory_space<vmem>> -> memref<1x128xi32, #tpu.memory_space<vmem>>
        %dma_start3A_111 = tpu.memref_squeeze %dma_start3A_110 : memref<1x128xi32, #tpu.memory_space<vmem>> -> memref<128xi32, #tpu.memory_space<vmem>>
        %dma_start3A_112 = arith.constant 0 : i32
        %dma_start3A_113 = arith.constant 0 : i32
        %dma_start3A_114 = tpu.memref_slice %arg11[%dma_start3A_112, %dma_start3A_113] : memref<10240x64xbf16, #tpu.memory_space<vmem_shared>> -> memref<10240x64xbf16, #tpu.memory_space<vmem_shared>>
        tpu.enqueue_indirect_dma source(%arg9 : memref<128x64xbf16, #tpu.memory_space<vmem>>) target(%dma_start3A_114 : memref<10240x64xbf16, #tpu.memory_space<vmem_shared>>) offsets(%dma_start3A_111 : memref<128xi32, #tpu.memory_space<vmem>>) semaphore(%run_scoped3A_108 : memref<!tpu.dma_semaphore, #tpu.memory_space<semaphore_mem>>) {add = true}
        %dma_wait3A_115 = arith.constant 0 : i32
        %dma_wait3A_116 = tpu.memref_slice %arg8[%add3A_59, %dma_wait3A_115] : memref<158x128xi32, #tpu.memory_space<vmem>> -> memref<1x128xi32, #tpu.memory_space<vmem>>
        %dma_wait3A_117 = tpu.memref_squeeze %dma_wait3A_116 : memref<1x128xi32, #tpu.memory_space<vmem>> -> memref<128xi32, #tpu.memory_space<vmem>>
        %dma_wait3A_118 = arith.constant 0 : i32
        %dma_wait3A_119 = arith.constant 0 : i32
        %dma_wait3A_120 = tpu.memref_slice %arg11[%dma_wait3A_118, %dma_wait3A_119] : memref<10240x64xbf16, #tpu.memory_space<vmem_shared>> -> memref<10240x64xbf16, #tpu.memory_space<vmem_shared>>
        tpu.wait_indirect_dma semaphore(%run_scoped3A_108 : memref<!tpu.dma_semaphore, #tpu.memory_space<semaphore_mem>>) src(%arg9 : memref<128x64xbf16, #tpu.memory_space<vmem>>) dst(%dma_wait3A_120 : memref<10240x64xbf16, #tpu.memory_space<vmem_shared>>)
        tpu.yield
      }) : () -> ()
      %add3A_70 = arith.constant 2 : i32
      %add3A_71 = arith.addi %add3A_59, %add3A_70 : i32
      %dma_start3A_72 = arith.constant 0 : i32
      %dma_start3A_73 = tpu.memref_slice %arg7[%add3A_71, %dma_start3A_72] : memref<158x128xi32, #tpu.memory_space<vmem>> -> memref<1x128xi32, #tpu.memory_space<vmem>>
      %dma_start3A_74 = tpu.memref_squeeze %dma_start3A_73 : memref<1x128xi32, #tpu.memory_space<vmem>> -> memref<128xi32, #tpu.memory_space<vmem>>
      %dma_start3A_75 = arith.constant 0 : i32
      %dma_start3A_76 = arith.constant 0 : i32
      %dma_start3A_77 = tpu.memref_slice %arg2[%arg0, %dma_start3A_75, %dma_start3A_76] : memref<2x10240x64xbf16, #tpu.memory_space<hbm>> -> memref<1x10240x64xbf16, #tpu.memory_space<hbm>>
      %dma_start3A_78 = tpu.memref_squeeze %dma_start3A_77 : memref<1x10240x64xbf16, #tpu.memory_space<hbm>> -> memref<10240x64xbf16, #tpu.memory_space<hbm>>
      %dma_start3A_79 = arith.constant 0 : i32
      %dma_start3A_80 = arith.constant 0 : i32
      %dma_start3A_81 = tpu.memref_slice %dma_start3A_78[%dma_start3A_79, %dma_start3A_80] : memref<10240x64xbf16, #tpu.memory_space<hbm>> -> memref<10240x64xbf16, #tpu.memory_space<hbm>>
      tpu.enqueue_indirect_dma source(%dma_start3A_81 : memref<10240x64xbf16, #tpu.memory_space<hbm>>) target(%arg9 : memref<128x64xbf16, #tpu.memory_space<vmem>>) offsets(%dma_start3A_74 : memref<128xi32, #tpu.memory_space<vmem>>) semaphore(%arg12 : memref<!tpu.dma_semaphore, #tpu.memory_space<semaphore_mem>>)
      %mul3A_82 = arith.constant 2 : i32
      %mul3A_83 = arith.muli %scan3A_56, %mul3A_82 : i32
      %add3A_84 = arith.constant 1 : i32
      %add3A_85 = arith.addi %mul3A_83, %add3A_84 : i32
      %dma_wait3A_86 = arith.constant 0 : i32
      %dma_wait3A_87 = tpu.memref_slice %arg7[%add3A_85, %dma_wait3A_86] : memref<158x128xi32, #tpu.memory_space<vmem>> -> memref<1x128xi32, #tpu.memory_space<vmem>>
      %dma_wait3A_88 = tpu.memref_squeeze %dma_wait3A_87 : memref<1x128xi32, #tpu.memory_space<vmem>> -> memref<128xi32, #tpu.memory_space<vmem>>
      %dma_wait3A_89 = arith.constant 0 : i32
      %dma_wait3A_90 = arith.constant 0 : i32
      %dma_wait3A_91 = tpu.memref_slice %arg2[%arg0, %dma_wait3A_89, %dma_wait3A_90] : memref<2x10240x64xbf16, #tpu.memory_space<hbm>> -> memref<1x10240x64xbf16, #tpu.memory_space<hbm>>
      %dma_wait3A_92 = tpu.memref_squeeze %dma_wait3A_91 : memref<1x10240x64xbf16, #tpu.memory_space<hbm>> -> memref<10240x64xbf16, #tpu.memory_space<hbm>>
      %dma_wait3A_93 = arith.constant 0 : i32
      %dma_wait3A_94 = arith.constant 0 : i32
      %dma_wait3A_95 = tpu.memref_slice %dma_wait3A_92[%dma_wait3A_93, %dma_wait3A_94] : memref<10240x64xbf16, #tpu.memory_space<hbm>> -> memref<10240x64xbf16, #tpu.memory_space<hbm>>
      tpu.wait_indirect_dma semaphore(%arg13 : memref<!tpu.dma_semaphore, #tpu.memory_space<semaphore_mem>>) src(%dma_wait3A_95 : memref<10240x64xbf16, #tpu.memory_space<hbm>>) dst(%arg10 : memref<128x64xbf16, #tpu.memory_space<vmem>>)
      "tpu.region"() ({
        %run_scoped3A_108 = tpu.sem_alloc : memref<!tpu.dma_semaphore, #tpu.memory_space<semaphore_mem>>
        %dma_start3A_109 = arith.constant 0 : i32
        %dma_start3A_110 = tpu.memref_slice %arg8[%add3A_85, %dma_start3A_109] : memref<158x128xi32, #tpu.memory_space<vmem>> -> memref<1x128xi32, #tpu.memory_space<vmem>>
        %dma_start3A_111 = tpu.memref_squeeze %dma_start3A_110 : memref<1x128xi32, #tpu.memory_space<vmem>> -> memref<128xi32, #tpu.memory_space<vmem>>
        %dma_start3A_112 = arith.constant 0 : i32
        %dma_start3A_113 = arith.constant 0 : i32
        %dma_start3A_114 = tpu.memref_slice %arg11[%dma_start3A_112, %dma_start3A_113] : memref<10240x64xbf16, #tpu.memory_space<vmem_shared>> -> memref<10240x64xbf16, #tpu.memory_space<vmem_shared>>
        tpu.enqueue_indirect_dma source(%arg10 : memref<128x64xbf16, #tpu.memory_space<vmem>>) target(%dma_start3A_114 : memref<10240x64xbf16, #tpu.memory_space<vmem_shared>>) offsets(%dma_start3A_111 : memref<128xi32, #tpu.memory_space<vmem>>) semaphore(%run_scoped3A_108 : memref<!tpu.dma_semaphore, #tpu.memory_space<semaphore_mem>>) {add = true}
        %dma_wait3A_115 = arith.constant 0 : i32
        %dma_wait3A_116 = tpu.memref_slice %arg8[%add3A_85, %dma_wait3A_115] : memref<158x128xi32, #tpu.memory_space<vmem>> -> memref<1x128xi32, #tpu.memory_space<vmem>>
        %dma_wait3A_117 = tpu.memref_squeeze %dma_wait3A_116 : memref<1x128xi32, #tpu.memory_space<vmem>> -> memref<128xi32, #tpu.memory_space<vmem>>
        %dma_wait3A_118 = arith.constant 0 : i32
        %dma_wait3A_119 = arith.constant 0 : i32
        %dma_wait3A_120 = tpu.memref_slice %arg11[%dma_wait3A_118, %dma_wait3A_119] : memref<10240x64xbf16, #tpu.memory_space<vmem_shared>> -> memref<10240x64xbf16, #tpu.memory_space<vmem_shared>>
        tpu.wait_indirect_dma semaphore(%run_scoped3A_108 : memref<!tpu.dma_semaphore, #tpu.memory_space<semaphore_mem>>) src(%arg10 : memref<128x64xbf16, #tpu.memory_space<vmem>>) dst(%dma_wait3A_120 : memref<10240x64xbf16, #tpu.memory_space<vmem_shared>>)
        tpu.yield
      }) : () -> ()
      %add3A_96 = arith.constant 2 : i32
      %add3A_97 = arith.addi %add3A_85, %add3A_96 : i32
      %dma_start3A_98 = arith.constant 0 : i32
      %dma_start3A_99 = tpu.memref_slice %arg7[%add3A_97, %dma_start3A_98] : memref<158x128xi32, #tpu.memory_space<vmem>> -> memref<1x128xi32, #tpu.memory_space<vmem>>
      %dma_start3A_100 = tpu.memref_squeeze %dma_start3A_99 : memref<1x128xi32, #tpu.memory_space<vmem>> -> memref<128xi32, #tpu.memory_space<vmem>>
      %dma_start3A_101 = arith.constant 0 : i32
      %dma_start3A_102 = arith.constant 0 : i32
      %dma_start3A_103 = tpu.memref_slice %arg2[%arg0, %dma_start3A_101, %dma_start3A_102] : memref<2x10240x64xbf16, #tpu.memory_space<hbm>> -> memref<1x10240x64xbf16, #tpu.memory_space<hbm>>
      %dma_start3A_104 = tpu.memref_squeeze %dma_start3A_103 : memref<1x10240x64xbf16, #tpu.memory_space<hbm>> -> memref<10240x64xbf16, #tpu.memory_space<hbm>>
      %dma_start3A_105 = arith.constant 0 : i32
      %dma_start3A_106 = arith.constant 0 : i32
      %dma_start3A_107 = tpu.memref_slice %dma_start3A_104[%dma_start3A_105, %dma_start3A_106] : memref<10240x64xbf16, #tpu.memory_space<hbm>> -> memref<10240x64xbf16, #tpu.memory_space<hbm>>
      tpu.enqueue_indirect_dma source(%dma_start3A_107 : memref<10240x64xbf16, #tpu.memory_space<hbm>>) target(%arg10 : memref<128x64xbf16, #tpu.memory_space<vmem>>) offsets(%dma_start3A_100 : memref<128xi32, #tpu.memory_space<vmem>>) semaphore(%arg13 : memref<!tpu.dma_semaphore, #tpu.memory_space<semaphore_mem>>)
    }
    %scan3A_28 = arith.constant 78 : i32
    %dma_wait3A = arith.constant 156 : i32
    %dma_wait3A_29 = arith.constant 0 : i32
    %dma_wait3A_30 = tpu.memref_slice %arg7[%dma_wait3A, %dma_wait3A_29] : memref<158x128xi32, #tpu.memory_space<vmem>> -> memref<1x128xi32, #tpu.memory_space<vmem>>
    %dma_wait3A_31 = tpu.memref_squeeze %dma_wait3A_30 : memref<1x128xi32, #tpu.memory_space<vmem>> -> memref<128xi32, #tpu.memory_space<vmem>>
    %dma_wait3A_32 = arith.constant 0 : i32
    %dma_wait3A_33 = arith.constant 0 : i32
    %dma_wait3A_34 = tpu.memref_slice %arg2[%arg0, %dma_wait3A_32, %dma_wait3A_33] : memref<2x10240x64xbf16, #tpu.memory_space<hbm>> -> memref<1x10240x64xbf16, #tpu.memory_space<hbm>>
    %dma_wait3A_35 = tpu.memref_squeeze %dma_wait3A_34 : memref<1x10240x64xbf16, #tpu.memory_space<hbm>> -> memref<10240x64xbf16, #tpu.memory_space<hbm>>
    %dma_wait3A_36 = arith.constant 0 : i32
    %dma_wait3A_37 = arith.constant 0 : i32
    %dma_wait3A_38 = tpu.memref_slice %dma_wait3A_35[%dma_wait3A_36, %dma_wait3A_37] : memref<10240x64xbf16, #tpu.memory_space<hbm>> -> memref<10240x64xbf16, #tpu.memory_space<hbm>>
    tpu.wait_indirect_dma semaphore(%arg12 : memref<!tpu.dma_semaphore, #tpu.memory_space<semaphore_mem>>) src(%dma_wait3A_38 : memref<10240x64xbf16, #tpu.memory_space<hbm>>) dst(%arg9 : memref<128x64xbf16, #tpu.memory_space<vmem>>)
    %run_scoped3A = arith.constant 156 : i32
    "tpu.region"() ({
      %run_scoped3A_56 = tpu.sem_alloc : memref<!tpu.dma_semaphore, #tpu.memory_space<semaphore_mem>>
      %dma_start3A_57 = arith.constant 0 : i32
      %dma_start3A_58 = tpu.memref_slice %arg8[%run_scoped3A, %dma_start3A_57] : memref<158x128xi32, #tpu.memory_space<vmem>> -> memref<1x128xi32, #tpu.memory_space<vmem>>
      %dma_start3A_59 = tpu.memref_squeeze %dma_start3A_58 : memref<1x128xi32, #tpu.memory_space<vmem>> -> memref<128xi32, #tpu.memory_space<vmem>>
      %dma_start3A_60 = arith.constant 0 : i32
      %dma_start3A_61 = arith.constant 0 : i32
      %dma_start3A_62 = tpu.memref_slice %arg11[%dma_start3A_60, %dma_start3A_61] : memref<10240x64xbf16, #tpu.memory_space<vmem_shared>> -> memref<10240x64xbf16, #tpu.memory_space<vmem_shared>>
      tpu.enqueue_indirect_dma source(%arg9 : memref<128x64xbf16, #tpu.memory_space<vmem>>) target(%dma_start3A_62 : memref<10240x64xbf16, #tpu.memory_space<vmem_shared>>) offsets(%dma_start3A_59 : memref<128xi32, #tpu.memory_space<vmem>>) semaphore(%run_scoped3A_56 : memref<!tpu.dma_semaphore, #tpu.memory_space<semaphore_mem>>) {add = true}
      %dma_wait3A_63 = arith.constant 0 : i32
      %dma_wait3A_64 = tpu.memref_slice %arg8[%run_scoped3A, %dma_wait3A_63] : memref<158x128xi32, #tpu.memory_space<vmem>> -> memref<1x128xi32, #tpu.memory_space<vmem>>
      %dma_wait3A_65 = tpu.memref_squeeze %dma_wait3A_64 : memref<1x128xi32, #tpu.memory_space<vmem>> -> memref<128xi32, #tpu.memory_space<vmem>>
      %dma_wait3A_66 = arith.constant 0 : i32
      %dma_wait3A_67 = arith.constant 0 : i32
      %dma_wait3A_68 = tpu.memref_slice %arg11[%dma_wait3A_66, %dma_wait3A_67] : memref<10240x64xbf16, #tpu.memory_space<vmem_shared>> -> memref<10240x64xbf16, #tpu.memory_space<vmem_shared>>
      tpu.wait_indirect_dma semaphore(%run_scoped3A_56 : memref<!tpu.dma_semaphore, #tpu.memory_space<semaphore_mem>>) src(%arg9 : memref<128x64xbf16, #tpu.memory_space<vmem>>) dst(%dma_wait3A_68 : memref<10240x64xbf16, #tpu.memory_space<vmem_shared>>)
      tpu.yield
    }) : () -> ()
    %dma_wait3A_39 = arith.constant 157 : i32
    %dma_wait3A_40 = arith.constant 0 : i32
    %dma_wait3A_41 = tpu.memref_slice %arg7[%dma_wait3A_39, %dma_wait3A_40] : memref<158x128xi32, #tpu.memory_space<vmem>> -> memref<1x128xi32, #tpu.memory_space<vmem>>
    %dma_wait3A_42 = tpu.memref_squeeze %dma_wait3A_41 : memref<1x128xi32, #tpu.memory_space<vmem>> -> memref<128xi32, #tpu.memory_space<vmem>>
    %dma_wait3A_43 = arith.constant 0 : i32
    %dma_wait3A_44 = arith.constant 0 : i32
    %dma_wait3A_45 = tpu.memref_slice %arg2[%arg0, %dma_wait3A_43, %dma_wait3A_44] : memref<2x10240x64xbf16, #tpu.memory_space<hbm>> -> memref<1x10240x64xbf16, #tpu.memory_space<hbm>>
    %dma_wait3A_46 = tpu.memref_squeeze %dma_wait3A_45 : memref<1x10240x64xbf16, #tpu.memory_space<hbm>> -> memref<10240x64xbf16, #tpu.memory_space<hbm>>
    %dma_wait3A_47 = arith.constant 0 : i32
    %dma_wait3A_48 = arith.constant 0 : i32
    %dma_wait3A_49 = tpu.memref_slice %dma_wait3A_46[%dma_wait3A_47, %dma_wait3A_48] : memref<10240x64xbf16, #tpu.memory_space<hbm>> -> memref<10240x64xbf16, #tpu.memory_space<hbm>>
    tpu.wait_indirect_dma semaphore(%arg13 : memref<!tpu.dma_semaphore, #tpu.memory_space<semaphore_mem>>) src(%dma_wait3A_49 : memref<10240x64xbf16, #tpu.memory_space<hbm>>) dst(%arg10 : memref<128x64xbf16, #tpu.memory_space<vmem>>)
    %run_scoped3A_50 = arith.constant 157 : i32
    "tpu.region"() ({
      %run_scoped3A_56 = tpu.sem_alloc : memref<!tpu.dma_semaphore, #tpu.memory_space<semaphore_mem>>
      %dma_start3A_57 = arith.constant 0 : i32
      %dma_start3A_58 = tpu.memref_slice %arg8[%run_scoped3A_50, %dma_start3A_57] : memref<158x128xi32, #tpu.memory_space<vmem>> -> memref<1x128xi32, #tpu.memory_space<vmem>>
      %dma_start3A_59 = tpu.memref_squeeze %dma_start3A_58 : memref<1x128xi32, #tpu.memory_space<vmem>> -> memref<128xi32, #tpu.memory_space<vmem>>
      %dma_start3A_60 = arith.constant 0 : i32
      %dma_start3A_61 = arith.constant 0 : i32
      %dma_start3A_62 = tpu.memref_slice %arg11[%dma_start3A_60, %dma_start3A_61] : memref<10240x64xbf16, #tpu.memory_space<vmem_shared>> -> memref<10240x64xbf16, #tpu.memory_space<vmem_shared>>
      tpu.enqueue_indirect_dma source(%arg10 : memref<128x64xbf16, #tpu.memory_space<vmem>>) target(%dma_start3A_62 : memref<10240x64xbf16, #tpu.memory_space<vmem_shared>>) offsets(%dma_start3A_59 : memref<128xi32, #tpu.memory_space<vmem>>) semaphore(%run_scoped3A_56 : memref<!tpu.dma_semaphore, #tpu.memory_space<semaphore_mem>>) {add = true}
      %dma_wait3A_63 = arith.constant 0 : i32
      %dma_wait3A_64 = tpu.memref_slice %arg8[%run_scoped3A_50, %dma_wait3A_63] : memref<158x128xi32, #tpu.memory_space<vmem>> -> memref<1x128xi32, #tpu.memory_space<vmem>>
      %dma_wait3A_65 = tpu.memref_squeeze %dma_wait3A_64 : memref<1x128xi32, #tpu.memory_space<vmem>> -> memref<128xi32, #tpu.memory_space<vmem>>
      %dma_wait3A_66 = arith.constant 0 : i32
      %dma_wait3A_67 = arith.constant 0 : i32
      %dma_wait3A_68 = tpu.memref_slice %arg11[%dma_wait3A_66, %dma_wait3A_67] : memref<10240x64xbf16, #tpu.memory_space<vmem_shared>> -> memref<10240x64xbf16, #tpu.memory_space<vmem_shared>>
      tpu.wait_indirect_dma semaphore(%run_scoped3A_56 : memref<!tpu.dma_semaphore, #tpu.memory_space<semaphore_mem>>) src(%arg10 : memref<128x64xbf16, #tpu.memory_space<vmem>>) dst(%dma_wait3A_68 : memref<10240x64xbf16, #tpu.memory_space<vmem_shared>>)
      tpu.yield
    }) : () -> ()
    %barrier3A_51 = arith.constant 0 : index
    tpu.barrier barrier_id(%barrier3A_51)
    %mul3A_52 = arith.constant 640 : i32
    %mul3A_53 = arith.muli %arg1, %mul3A_52 : i32
    %mul3A_54 = arith.constant 640 : i32
    %mul3A_55 = arith.muli %arg1, %mul3A_54 : i32
    "tpu.region"() ({
      %run_scoped3A_56 = tpu.sem_alloc : memref<!tpu.dma_semaphore, #tpu.memory_space<semaphore_mem>>
      %dma_start3A_57 = arith.constant 0 : i32
      %dma_start3A_58 = tpu.memref_slice %arg6[%arg0, %mul3A_55, %dma_start3A_57] : memref<2x10240x64xbf16, #tpu.memory_space<hbm>> -> memref<1x640x64xbf16, #tpu.memory_space<hbm>>
      %dma_start3A_59 = tpu.memref_squeeze %dma_start3A_58 : memref<1x640x64xbf16, #tpu.memory_space<hbm>> -> memref<640x64xbf16, #tpu.memory_space<hbm>>
      %dma_start3A_60 = arith.constant 0 : i32
      %dma_start3A_61 = tpu.memref_slice %arg11[%mul3A_53, %dma_start3A_60] : memref<10240x64xbf16, #tpu.memory_space<vmem_shared>> -> memref<640x64xbf16, #tpu.memory_space<vmem_shared>>
      tpu.enqueue_dma source(%dma_start3A_61 : memref<640x64xbf16, #tpu.memory_space<vmem_shared>>) target(%dma_start3A_59 : memref<640x64xbf16, #tpu.memory_space<hbm>>) target_semaphore(%run_scoped3A_56 : memref<!tpu.dma_semaphore, #tpu.memory_space<semaphore_mem>>)
      %dma_wait3A_62 = arith.constant 0 : i32
      %dma_wait3A_63 = tpu.memref_slice %arg6[%arg0, %mul3A_55, %dma_wait3A_62] : memref<2x10240x64xbf16, #tpu.memory_space<hbm>> -> memref<1x640x64xbf16, #tpu.memory_space<hbm>>
      %dma_wait3A_64 = tpu.memref_squeeze %dma_wait3A_63 : memref<1x640x64xbf16, #tpu.memory_space<hbm>> -> memref<640x64xbf16, #tpu.memory_space<hbm>>
      %dma_wait3A_65 = arith.constant 0 : i32
      %dma_wait3A_66 = tpu.memref_slice %arg11[%mul3A_53, %dma_wait3A_65] : memref<10240x64xbf16, #tpu.memory_space<vmem_shared>> -> memref<640x64xbf16, #tpu.memory_space<vmem_shared>>
      tpu.wait_dma2 semaphore(%run_scoped3A_56 : memref<!tpu.dma_semaphore, #tpu.memory_space<semaphore_mem>>) src(%dma_wait3A_66 : memref<640x64xbf16, #tpu.memory_space<vmem_shared>>) dst(%dma_wait3A_64 : memref<640x64xbf16, #tpu.memory_space<hbm>>)
      tpu.yield
    }) : () -> ()
    return
  }
}

#map = affine_map<(d0, d1) -> (0, 0, 0)>
#map1 = affine_map<(d0, d1) -> (0, 0)>
module attributes {stable_mosaic.version = 14 : i64} {
  func.func @scatter(%arg0: i32, %arg1: i32, %arg2: memref<2x10240x64xbf16, #tpu.memory_space<hbm>>, %arg3: memref<16x158x128xi32, #tpu.memory_space<hbm>>, %arg4: memref<16x158x128xi32, #tpu.memory_space<hbm>>, %arg5: memref<10240x64xbf16, #tpu.memory_space<hbm>>, %arg6: memref<2x10240x64xbf16, #tpu.memory_space<hbm>>, %arg7: memref<158x128xi32, #tpu.memory_space<vmem>>, %arg8: memref<158x128xi32, #tpu.memory_space<vmem>>, %arg9: memref<128x64xbf16, #tpu.memory_space<vmem>>, %arg10: memref<128x64xbf16, #tpu.memory_space<vmem>>, %arg11: memref<10240x64xbf16, #tpu.memory_space<vmem_shared>>, %arg12: memref<!tpu.dma_semaphore, #tpu.memory_space<semaphore_mem>>, %arg13: memref<!tpu.dma_semaphore, #tpu.memory_space<semaphore_mem>>) attributes {dimension_semantics = [#tpu.dimension_semantics<core_parallel>, #tpu.dimension_semantics<subcore_parallel>], iteration_bounds = array<i64: 2, 16>, scalar_prefetch = 0 : i64, scratch_operands = 7 : i64, tpu.core_type = #tpu.core_type<sc_vector_subcore>, window_params = [{transform_indices = #map}, {transform_indices = #map}, {transform_indices = #map}, {transform_indices = #map1}, {transform_indices = #map}]} {
    "tpu.region"() ({
      %run_scoped3A_56 = tpu.sem_alloc : memref<!tpu.dma_semaphore, #tpu.memory_space<semaphore_mem>>
      %dma_start3A_57 = arith.constant 0 : i32
      %dma_start3A_58 = arith.constant 0 : i32
      %dma_start3A_59 = tpu.memref_slice %arg3[%arg1, %dma_start3A_57, %dma_start3A_58] : memref<16x158x128xi32, #tpu.memory_space<hbm>> -> memref<1x158x128xi32, #tpu.memory_space<hbm>>
      %dma_start3A_60 = tpu.memref_squeeze %dma_start3A_59 : memref<1x158x128xi32, #tpu.memory_space<hbm>> -> memref<158x128xi32, #tpu.memory_space<hbm>>
      %dma_start3A_61 = arith.constant 0 : i32
      %dma_start3A_62 = arith.constant 0 : i32
      %dma_start3A_63 = tpu.memref_slice %arg3[%arg1, %dma_start3A_61, %dma_start3A_62] : memref<16x158x128xi32, #tpu.memory_space<hbm>> -> memref<1x158x128xi32, #tpu.memory_space<hbm>>
      %dma_start3A_64 = tpu.memref_squeeze %dma_start3A_63 : memref<1x158x128xi32, #tpu.memory_space<hbm>> -> memref<158x128xi32, #tpu.memory_space<hbm>>
      tpu.enqueue_dma source(%dma_start3A_64 : memref<158x128xi32, #tpu.memory_space<hbm>>) target(%arg7 : memref<158x128xi32, #tpu.memory_space<vmem>>) target_semaphore(%run_scoped3A_56 : memref<!tpu.dma_semaphore, #tpu.memory_space<semaphore_mem>>)
      %dma_wait3A_65 = arith.constant 0 : i32
      %dma_wait3A_66 = arith.constant 0 : i32
      %dma_wait3A_67 = tpu.memref_slice %arg3[%arg1, %dma_wait3A_65, %dma_wait3A_66] : memref<16x158x128xi32, #tpu.memory_space<hbm>> -> memref<1x158x128xi32, #tpu.memory_space<hbm>>
      %dma_wait3A_68 = tpu.memref_squeeze %dma_wait3A_67 : memref<1x158x128xi32, #tpu.memory_space<hbm>> -> memref<158x128xi32, #tpu.memory_space<hbm>>
      %dma_wait3A_69 = arith.constant 0 : i32
      %dma_wait3A_70 = arith.constant 0 : i32
      %dma_wait3A_71 = tpu.memref_slice %arg3[%arg1, %dma_wait3A_69, %dma_wait3A_70] : memref<16x158x128xi32, #tpu.memory_space<hbm>> -> memref<1x158x128xi32, #tpu.memory_space<hbm>>
      %dma_wait3A_72 = tpu.memref_squeeze %dma_wait3A_71 : memref<1x158x128xi32, #tpu.memory_space<hbm>> -> memref<158x128xi32, #tpu.memory_space<hbm>>
      tpu.wait_dma2 semaphore(%run_scoped3A_56 : memref<!tpu.dma_semaphore, #tpu.memory_space<semaphore_mem>>) src(%dma_wait3A_72 : memref<158x128xi32, #tpu.memory_space<hbm>>) dst(%arg7 : memref<158x128xi32, #tpu.memory_space<vmem>>)
      tpu.yield
    }) : () -> ()
    "tpu.region"() ({
      %run_scoped3A_56 = tpu.sem_alloc : memref<!tpu.dma_semaphore, #tpu.memory_space<semaphore_mem>>
      %dma_start3A_57 = arith.constant 0 : i32
      %dma_start3A_58 = arith.constant 0 : i32
      %dma_start3A_59 = tpu.memref_slice %arg4[%arg1, %dma_start3A_57, %dma_start3A_58] : memref<16x158x128xi32, #tpu.memory_space<hbm>> -> memref<1x158x128xi32, #tpu.memory_space<hbm>>
      %dma_start3A_60 = tpu.memref_squeeze %dma_start3A_59 : memref<1x158x128xi32, #tpu.memory_space<hbm>> -> memref<158x128xi32, #tpu.memory_space<hbm>>
      %dma_start3A_61 = arith.constant 0 : i32
      %dma_start3A_62 = arith.constant 0 : i32
      %dma_start3A_63 = tpu.memref_slice %arg4[%arg1, %dma_start3A_61, %dma_start3A_62] : memref<16x158x128xi32, #tpu.memory_space<hbm>> -> memref<1x158x128xi32, #tpu.memory_space<hbm>>
      %dma_start3A_64 = tpu.memref_squeeze %dma_start3A_63 : memref<1x158x128xi32, #tpu.memory_space<hbm>> -> memref<158x128xi32, #tpu.memory_space<hbm>>
      tpu.enqueue_dma source(%dma_start3A_64 : memref<158x128xi32, #tpu.memory_space<hbm>>) target(%arg8 : memref<158x128xi32, #tpu.memory_space<vmem>>) target_semaphore(%run_scoped3A_56 : memref<!tpu.dma_semaphore, #tpu.memory_space<semaphore_mem>>)
      %dma_wait3A_65 = arith.constant 0 : i32
      %dma_wait3A_66 = arith.constant 0 : i32
      %dma_wait3A_67 = tpu.memref_slice %arg4[%arg1, %dma_wait3A_65, %dma_wait3A_66] : memref<16x158x128xi32, #tpu.memory_space<hbm>> -> memref<1x158x128xi32, #tpu.memory_space<hbm>>
      %dma_wait3A_68 = tpu.memref_squeeze %dma_wait3A_67 : memref<1x158x128xi32, #tpu.memory_space<hbm>> -> memref<158x128xi32, #tpu.memory_space<hbm>>
      %dma_wait3A_69 = arith.constant 0 : i32
      %dma_wait3A_70 = arith.constant 0 : i32
      %dma_wait3A_71 = tpu.memref_slice %arg4[%arg1, %dma_wait3A_69, %dma_wait3A_70] : memref<16x158x128xi32, #tpu.memory_space<hbm>> -> memref<1x158x128xi32, #tpu.memory_space<hbm>>
      %dma_wait3A_72 = tpu.memref_squeeze %dma_wait3A_71 : memref<1x158x128xi32, #tpu.memory_space<hbm>> -> memref<158x128xi32, #tpu.memory_space<hbm>>
      tpu.wait_dma2 semaphore(%run_scoped3A_56 : memref<!tpu.dma_semaphore, #tpu.memory_space<semaphore_mem>>) src(%dma_wait3A_72 : memref<158x128xi32, #tpu.memory_space<hbm>>) dst(%arg8 : memref<158x128xi32, #tpu.memory_space<vmem>>)
      tpu.yield
    }) : () -> ()
    %mul3A = arith.constant 640 : i32
    %mul3A_0 = arith.muli %arg1, %mul3A : i32
    %mul3A_1 = arith.constant 640 : i32
    %mul3A_2 = arith.muli %arg1, %mul3A_1 : i32
    "tpu.region"() ({
      %run_scoped3A_56 = tpu.sem_alloc : memref<!tpu.dma_semaphore, #tpu.memory_space<semaphore_mem>>
      %dma_start3A_57 = arith.constant 0 : i32
      %dma_start3A_58 = tpu.memref_slice %arg11[%mul3A_2, %dma_start3A_57] : memref<10240x64xbf16, #tpu.memory_space<vmem_shared>> -> memref<640x64xbf16, #tpu.memory_space<vmem_shared>>
      %dma_start3A_59 = arith.constant 0 : i32
      %dma_start3A_60 = tpu.memref_slice %arg5[%mul3A_0, %dma_start3A_59] : memref<10240x64xbf16, #tpu.memory_space<hbm>> -> memref<640x64xbf16, #tpu.memory_space<hbm>>
      tpu.enqueue_dma source(%dma_start3A_60 : memref<640x64xbf16, #tpu.memory_space<hbm>>) target(%dma_start3A_58 : memref<640x64xbf16, #tpu.memory_space<vmem_shared>>) target_semaphore(%run_scoped3A_56 : memref<!tpu.dma_semaphore, #tpu.memory_space<semaphore_mem>>)
      %dma_wait3A_61 = arith.constant 0 : i32
      %dma_wait3A_62 = tpu.memref_slice %arg11[%mul3A_2, %dma_wait3A_61] : memref<10240x64xbf16, #tpu.memory_space<vmem_shared>> -> memref<640x64xbf16, #tpu.memory_space<vmem_shared>>
      %dma_wait3A_63 = arith.constant 0 : i32
      %dma_wait3A_64 = tpu.memref_slice %arg5[%mul3A_0, %dma_wait3A_63] : memref<10240x64xbf16, #tpu.memory_space<hbm>> -> memref<640x64xbf16, #tpu.memory_space<hbm>>
      tpu.wait_dma2 semaphore(%run_scoped3A_56 : memref<!tpu.dma_semaphore, #tpu.memory_space<semaphore_mem>>) src(%dma_wait3A_64 : memref<640x64xbf16, #tpu.memory_space<hbm>>) dst(%dma_wait3A_62 : memref<640x64xbf16, #tpu.memory_space<vmem_shared>>)
      tpu.yield
    }) : () -> ()
    %barrier3A = arith.constant 0 : index
    tpu.barrier barrier_id(%barrier3A)
    %dma_start3A = arith.constant 0 : i32
    %dma_start3A_3 = arith.constant 0 : i32
    %dma_start3A_4 = tpu.memref_slice %arg7[%dma_start3A, %dma_start3A_3] : memref<158x128xi32, #tpu.memory_space<vmem>> -> memref<1x128xi32, #tpu.memory_space<vmem>>
    %dma_start3A_5 = tpu.memref_squeeze %dma_start3A_4 : memref<1x128xi32, #tpu.memory_space<vmem>> -> memref<128xi32, #tpu.memory_space<vmem>>
    %dma_start3A_6 = arith.constant 0 : i32
    %dma_start3A_7 = arith.constant 0 : i32
    %dma_start3A_8 = tpu.memref_slice %arg2[%arg0, %dma_start3A_6, %dma_start3A_7] : memref<2x10240x64xbf16, #tpu.memory_space<hbm>> -> memref<1x10240x64xbf16, #tpu.memory_space<hbm>>
    %dma_start3A_9 = tpu.memref_squeeze %dma_start3A_8 : memref<1x10240x64xbf16, #tpu.memory_space<hbm>> -> memref<10240x64xbf16, #tpu.memory_space<hbm>>
    %dma_start3A_10 = arith.constant 0 : i32
    %dma_start3A_11 = arith.constant 0 : i32
    %dma_start3A_12 = tpu.memref_slice %dma_start3A_9[%dma_start3A_10, %dma_start3A_11] : memref<10240x64xbf16, #tpu.memory_space<hbm>> -> memref<10240x64xbf16, #tpu.memory_space<hbm>>
    tpu.enqueue_indirect_dma source(%dma_start3A_12 : memref<10240x64xbf16, #tpu.memory_space<hbm>>) target(%arg9 : memref<128x64xbf16, #tpu.memory_space<vmem>>) offsets(%dma_start3A_5 : memref<128xi32, #tpu.memory_space<vmem>>) semaphore(%arg12 : memref<!tpu.dma_semaphore, #tpu.memory_space<semaphore_mem>>)
    %dma_start3A_13 = arith.constant 1 : i32
    %dma_start3A_14 = arith.constant 0 : i32
    %dma_start3A_15 = tpu.memref_slice %arg7[%dma_start3A_13, %dma_start3A_14] : memref<158x128xi32, #tpu.memory_space<vmem>> -> memref<1x128xi32, #tpu.memory_space<vmem>>
    %dma_start3A_16 = tpu.memref_squeeze %dma_start3A_15 : memref<1x128xi32, #tpu.memory_space<vmem>> -> memref<128xi32, #tpu.memory_space<vmem>>
    %dma_start3A_17 = arith.constant 0 : i32
    %dma_start3A_18 = arith.constant 0 : i32
    %dma_start3A_19 = tpu.memref_slice %arg2[%arg0, %dma_start3A_17, %dma_start3A_18] : memref<2x10240x64xbf16, #tpu.memory_space<hbm>> -> memref<1x10240x64xbf16, #tpu.memory_space<hbm>>
    %dma_start3A_20 = tpu.memref_squeeze %dma_start3A_19 : memref<1x10240x64xbf16, #tpu.memory_space<hbm>> -> memref<10240x64xbf16, #tpu.memory_space<hbm>>
    %dma_start3A_21 = arith.constant 0 : i32
    %dma_start3A_22 = arith.constant 0 : i32
    %dma_start3A_23 = tpu.memref_slice %dma_start3A_20[%dma_start3A_21, %dma_start3A_22] : memref<10240x64xbf16, #tpu.memory_space<hbm>> -> memref<10240x64xbf16, #tpu.memory_space<hbm>>
    tpu.enqueue_indirect_dma source(%dma_start3A_23 : memref<10240x64xbf16, #tpu.memory_space<hbm>>) target(%arg10 : memref<128x64xbf16, #tpu.memory_space<vmem>>) offsets(%dma_start3A_16 : memref<128xi32, #tpu.memory_space<vmem>>) semaphore(%arg13 : memref<!tpu.dma_semaphore, #tpu.memory_space<semaphore_mem>>)
    %scan3A = arith.constant 0 : i32
    %scan3A_24 = arith.constant 0 : i32
    %scan3A_25 = arith.constant 78 : i32
    %scan3A_26 = arith.addi %scan3A_24, %scan3A_25 : i32
    %scan3A_27 = arith.constant 1 : i32
    scf.for %scan3A_56 = %scan3A_24 to %scan3A_26 step %scan3A_27  : i32 {
      %mul3A_57 = arith.constant 2 : i32
      %mul3A_58 = arith.muli %scan3A_56, %mul3A_57 : i32
      %add3A = arith.constant 0 : i32
      %add3A_59 = arith.addi %mul3A_58, %add3A : i32
      %dma_wait3A_60 = arith.constant 0 : i32
      %dma_wait3A_61 = tpu.memref_slice %arg7[%add3A_59, %dma_wait3A_60] : memref<158x128xi32, #tpu.memory_space<vmem>> -> memref<1x128xi32, #tpu.memory_space<vmem>>
      %dma_wait3A_62 = tpu.memref_squeeze %dma_wait3A_61 : memref<1x128xi32, #tpu.memory_space<vmem>> -> memref<128xi32, #tpu.memory_space<vmem>>
      %dma_wait3A_63 = arith.constant 0 : i32
      %dma_wait3A_64 = arith.constant 0 : i32
      %dma_wait3A_65 = tpu.memref_slice %arg2[%arg0, %dma_wait3A_63, %dma_wait3A_64] : memref<2x10240x64xbf16, #tpu.memory_space<hbm>> -> memref<1x10240x64xbf16, #tpu.memory_space<hbm>>
      %dma_wait3A_66 = tpu.memref_squeeze %dma_wait3A_65 : memref<1x10240x64xbf16, #tpu.memory_space<hbm>> -> memref<10240x64xbf16, #tpu.memory_space<hbm>>
      %dma_wait3A_67 = arith.constant 0 : i32
      %dma_wait3A_68 = arith.constant 0 : i32
      %dma_wait3A_69 = tpu.memref_slice %dma_wait3A_66[%dma_wait3A_67, %dma_wait3A_68] : memref<10240x64xbf16, #tpu.memory_space<hbm>> -> memref<10240x64xbf16, #tpu.memory_space<hbm>>
      tpu.wait_indirect_dma semaphore(%arg12 : memref<!tpu.dma_semaphore, #tpu.memory_space<semaphore_mem>>) src(%dma_wait3A_69 : memref<10240x64xbf16, #tpu.memory_space<hbm>>) dst(%arg9 : memref<128x64xbf16, #tpu.memory_space<vmem>>)
      "tpu.region"() ({
        %run_scoped3A_108 = tpu.sem_alloc : memref<!tpu.dma_semaphore, #tpu.memory_space<semaphore_mem>>
        %dma_start3A_109 = arith.constant 0 : i32
        %dma_start3A_110 = tpu.memref_slice %arg8[%add3A_59, %dma_start3A_109] : memref<158x128xi32, #tpu.memory_space<vmem>> -> memref<1x128xi32, #tpu.memory_space<vmem>>
        %dma_start3A_111 = tpu.memref_squeeze %dma_start3A_110 : memref<1x128xi32, #tpu.memory_space<vmem>> -> memref<128xi32, #tpu.memory_space<vmem>>
        %dma_start3A_112 = arith.constant 0 : i32
        %dma_start3A_113 = arith.constant 0 : i32
        %dma_start3A_114 = tpu.memref_slice %arg11[%dma_start3A_112, %dma_start3A_113] : memref<10240x64xbf16, #tpu.memory_space<vmem_shared>> -> memref<10240x64xbf16, #tpu.memory_space<vmem_shared>>
        tpu.enqueue_indirect_dma source(%arg9 : memref<128x64xbf16, #tpu.memory_space<vmem>>) target(%dma_start3A_114 : memref<10240x64xbf16, #tpu.memory_space<vmem_shared>>) offsets(%dma_start3A_111 : memref<128xi32, #tpu.memory_space<vmem>>) semaphore(%run_scoped3A_108 : memref<!tpu.dma_semaphore, #tpu.memory_space<semaphore_mem>>) {add = true}
        %dma_wait3A_115 = arith.constant 0 : i32
        %dma_wait3A_116 = tpu.memref_slice %arg8[%add3A_59, %dma_wait3A_115] : memref<158x128xi32, #tpu.memory_space<vmem>> -> memref<1x128xi32, #tpu.memory_space<vmem>>
        %dma_wait3A_117 = tpu.memref_squeeze %dma_wait3A_116 : memref<1x128xi32, #tpu.memory_space<vmem>> -> memref<128xi32, #tpu.memory_space<vmem>>
        %dma_wait3A_118 = arith.constant 0 : i32
        %dma_wait3A_119 = arith.constant 0 : i32
        %dma_wait3A_120 = tpu.memref_slice %arg11[%dma_wait3A_118, %dma_wait3A_119] : memref<10240x64xbf16, #tpu.memory_space<vmem_shared>> -> memref<10240x64xbf16, #tpu.memory_space<vmem_shared>>
        tpu.wait_indirect_dma semaphore(%run_scoped3A_108 : memref<!tpu.dma_semaphore, #tpu.memory_space<semaphore_mem>>) src(%arg9 : memref<128x64xbf16, #tpu.memory_space<vmem>>) dst(%dma_wait3A_120 : memref<10240x64xbf16, #tpu.memory_space<vmem_shared>>)
        tpu.yield
      }) : () -> ()
      %add3A_70 = arith.constant 2 : i32
      %add3A_71 = arith.addi %add3A_59, %add3A_70 : i32
      %dma_start3A_72 = arith.constant 0 : i32
      %dma_start3A_73 = tpu.memref_slice %arg7[%add3A_71, %dma_start3A_72] : memref<158x128xi32, #tpu.memory_space<vmem>> -> memref<1x128xi32, #tpu.memory_space<vmem>>
      %dma_start3A_74 = tpu.memref_squeeze %dma_start3A_73 : memref<1x128xi32, #tpu.memory_space<vmem>> -> memref<128xi32, #tpu.memory_space<vmem>>
      %dma_start3A_75 = arith.constant 0 : i32
      %dma_start3A_76 = arith.constant 0 : i32
      %dma_start3A_77 = tpu.memref_slice %arg2[%arg0, %dma_start3A_75, %dma_start3A_76] : memref<2x10240x64xbf16, #tpu.memory_space<hbm>> -> memref<1x10240x64xbf16, #tpu.memory_space<hbm>>
      %dma_start3A_78 = tpu.memref_squeeze %dma_start3A_77 : memref<1x10240x64xbf16, #tpu.memory_space<hbm>> -> memref<10240x64xbf16, #tpu.memory_space<hbm>>
      %dma_start3A_79 = arith.constant 0 : i32
      %dma_start3A_80 = arith.constant 0 : i32
      %dma_start3A_81 = tpu.memref_slice %dma_start3A_78[%dma_start3A_79, %dma_start3A_80] : memref<10240x64xbf16, #tpu.memory_space<hbm>> -> memref<10240x64xbf16, #tpu.memory_space<hbm>>
      tpu.enqueue_indirect_dma source(%dma_start3A_81 : memref<10240x64xbf16, #tpu.memory_space<hbm>>) target(%arg9 : memref<128x64xbf16, #tpu.memory_space<vmem>>) offsets(%dma_start3A_74 : memref<128xi32, #tpu.memory_space<vmem>>) semaphore(%arg12 : memref<!tpu.dma_semaphore, #tpu.memory_space<semaphore_mem>>)
      %mul3A_82 = arith.constant 2 : i32
      %mul3A_83 = arith.muli %scan3A_56, %mul3A_82 : i32
      %add3A_84 = arith.constant 1 : i32
      %add3A_85 = arith.addi %mul3A_83, %add3A_84 : i32
      %dma_wait3A_86 = arith.constant 0 : i32
      %dma_wait3A_87 = tpu.memref_slice %arg7[%add3A_85, %dma_wait3A_86] : memref<158x128xi32, #tpu.memory_space<vmem>> -> memref<1x128xi32, #tpu.memory_space<vmem>>
      %dma_wait3A_88 = tpu.memref_squeeze %dma_wait3A_87 : memref<1x128xi32, #tpu.memory_space<vmem>> -> memref<128xi32, #tpu.memory_space<vmem>>
      %dma_wait3A_89 = arith.constant 0 : i32
      %dma_wait3A_90 = arith.constant 0 : i32
      %dma_wait3A_91 = tpu.memref_slice %arg2[%arg0, %dma_wait3A_89, %dma_wait3A_90] : memref<2x10240x64xbf16, #tpu.memory_space<hbm>> -> memref<1x10240x64xbf16, #tpu.memory_space<hbm>>
      %dma_wait3A_92 = tpu.memref_squeeze %dma_wait3A_91 : memref<1x10240x64xbf16, #tpu.memory_space<hbm>> -> memref<10240x64xbf16, #tpu.memory_space<hbm>>
      %dma_wait3A_93 = arith.constant 0 : i32
      %dma_wait3A_94 = arith.constant 0 : i32
      %dma_wait3A_95 = tpu.memref_slice %dma_wait3A_92[%dma_wait3A_93, %dma_wait3A_94] : memref<10240x64xbf16, #tpu.memory_space<hbm>> -> memref<10240x64xbf16, #tpu.memory_space<hbm>>
      tpu.wait_indirect_dma semaphore(%arg13 : memref<!tpu.dma_semaphore, #tpu.memory_space<semaphore_mem>>) src(%dma_wait3A_95 : memref<10240x64xbf16, #tpu.memory_space<hbm>>) dst(%arg10 : memref<128x64xbf16, #tpu.memory_space<vmem>>)
      "tpu.region"() ({
        %run_scoped3A_108 = tpu.sem_alloc : memref<!tpu.dma_semaphore, #tpu.memory_space<semaphore_mem>>
        %dma_start3A_109 = arith.constant 0 : i32
        %dma_start3A_110 = tpu.memref_slice %arg8[%add3A_85, %dma_start3A_109] : memref<158x128xi32, #tpu.memory_space<vmem>> -> memref<1x128xi32, #tpu.memory_space<vmem>>
        %dma_start3A_111 = tpu.memref_squeeze %dma_start3A_110 : memref<1x128xi32, #tpu.memory_space<vmem>> -> memref<128xi32, #tpu.memory_space<vmem>>
        %dma_start3A_112 = arith.constant 0 : i32
        %dma_start3A_113 = arith.constant 0 : i32
        %dma_start3A_114 = tpu.memref_slice %arg11[%dma_start3A_112, %dma_start3A_113] : memref<10240x64xbf16, #tpu.memory_space<vmem_shared>> -> memref<10240x64xbf16, #tpu.memory_space<vmem_shared>>
        tpu.enqueue_indirect_dma source(%arg10 : memref<128x64xbf16, #tpu.memory_space<vmem>>) target(%dma_start3A_114 : memref<10240x64xbf16, #tpu.memory_space<vmem_shared>>) offsets(%dma_start3A_111 : memref<128xi32, #tpu.memory_space<vmem>>) semaphore(%run_scoped3A_108 : memref<!tpu.dma_semaphore, #tpu.memory_space<semaphore_mem>>) {add = true}
        %dma_wait3A_115 = arith.constant 0 : i32
        %dma_wait3A_116 = tpu.memref_slice %arg8[%add3A_85, %dma_wait3A_115] : memref<158x128xi32, #tpu.memory_space<vmem>> -> memref<1x128xi32, #tpu.memory_space<vmem>>
        %dma_wait3A_117 = tpu.memref_squeeze %dma_wait3A_116 : memref<1x128xi32, #tpu.memory_space<vmem>> -> memref<128xi32, #tpu.memory_space<vmem>>
        %dma_wait3A_118 = arith.constant 0 : i32
        %dma_wait3A_119 = arith.constant 0 : i32
        %dma_wait3A_120 = tpu.memref_slice %arg11[%dma_wait3A_118, %dma_wait3A_119] : memref<10240x64xbf16, #tpu.memory_space<vmem_shared>> -> memref<10240x64xbf16, #tpu.memory_space<vmem_shared>>
        tpu.wait_indirect_dma semaphore(%run_scoped3A_108 : memref<!tpu.dma_semaphore, #tpu.memory_space<semaphore_mem>>) src(%arg10 : memref<128x64xbf16, #tpu.memory_space<vmem>>) dst(%dma_wait3A_120 : memref<10240x64xbf16, #tpu.memory_space<vmem_shared>>)
        tpu.yield
      }) : () -> ()
      %add3A_96 = arith.constant 2 : i32
      %add3A_97 = arith.addi %add3A_85, %add3A_96 : i32
      %dma_start3A_98 = arith.constant 0 : i32
      %dma_start3A_99 = tpu.memref_slice %arg7[%add3A_97, %dma_start3A_98] : memref<158x128xi32, #tpu.memory_space<vmem>> -> memref<1x128xi32, #tpu.memory_space<vmem>>
      %dma_start3A_100 = tpu.memref_squeeze %dma_start3A_99 : memref<1x128xi32, #tpu.memory_space<vmem>> -> memref<128xi32, #tpu.memory_space<vmem>>
      %dma_start3A_101 = arith.constant 0 : i32
      %dma_start3A_102 = arith.constant 0 : i32
      %dma_start3A_103 = tpu.memref_slice %arg2[%arg0, %dma_start3A_101, %dma_start3A_102] : memref<2x10240x64xbf16, #tpu.memory_space<hbm>> -> memref<1x10240x64xbf16, #tpu.memory_space<hbm>>
      %dma_start3A_104 = tpu.memref_squeeze %dma_start3A_103 : memref<1x10240x64xbf16, #tpu.memory_space<hbm>> -> memref<10240x64xbf16, #tpu.memory_space<hbm>>
      %dma_start3A_105 = arith.constant 0 : i32
      %dma_start3A_106 = arith.constant 0 : i32
      %dma_start3A_107 = tpu.memref_slice %dma_start3A_104[%dma_start3A_105, %dma_start3A_106] : memref<10240x64xbf16, #tpu.memory_space<hbm>> -> memref<10240x64xbf16, #tpu.memory_space<hbm>>
      tpu.enqueue_indirect_dma source(%dma_start3A_107 : memref<10240x64xbf16, #tpu.memory_space<hbm>>) target(%arg10 : memref<128x64xbf16, #tpu.memory_space<vmem>>) offsets(%dma_start3A_100 : memref<128xi32, #tpu.memory_space<vmem>>) semaphore(%arg13 : memref<!tpu.dma_semaphore, #tpu.memory_space<semaphore_mem>>)
    }
    %scan3A_28 = arith.constant 78 : i32
    %dma_wait3A = arith.constant 156 : i32
    %dma_wait3A_29 = arith.constant 0 : i32
    %dma_wait3A_30 = tpu.memref_slice %arg7[%dma_wait3A, %dma_wait3A_29] : memref<158x128xi32, #tpu.memory_space<vmem>> -> memref<1x128xi32, #tpu.memory_space<vmem>>
    %dma_wait3A_31 = tpu.memref_squeeze %dma_wait3A_30 : memref<1x128xi32, #tpu.memory_space<vmem>> -> memref<128xi32, #tpu.memory_space<vmem>>
    %dma_wait3A_32 = arith.constant 0 : i32
    %dma_wait3A_33 = arith.constant 0 : i32
    %dma_wait3A_34 = tpu.memref_slice %arg2[%arg0, %dma_wait3A_32, %dma_wait3A_33] : memref<2x10240x64xbf16, #tpu.memory_space<hbm>> -> memref<1x10240x64xbf16, #tpu.memory_space<hbm>>
    %dma_wait3A_35 = tpu.memref_squeeze %dma_wait3A_34 : memref<1x10240x64xbf16, #tpu.memory_space<hbm>> -> memref<10240x64xbf16, #tpu.memory_space<hbm>>
    %dma_wait3A_36 = arith.constant 0 : i32
    %dma_wait3A_37 = arith.constant 0 : i32
    %dma_wait3A_38 = tpu.memref_slice %dma_wait3A_35[%dma_wait3A_36, %dma_wait3A_37] : memref<10240x64xbf16, #tpu.memory_space<hbm>> -> memref<10240x64xbf16, #tpu.memory_space<hbm>>
    tpu.wait_indirect_dma semaphore(%arg12 : memref<!tpu.dma_semaphore, #tpu.memory_space<semaphore_mem>>) src(%dma_wait3A_38 : memref<10240x64xbf16, #tpu.memory_space<hbm>>) dst(%arg9 : memref<128x64xbf16, #tpu.memory_space<vmem>>)
    %run_scoped3A = arith.constant 156 : i32
    "tpu.region"() ({
      %run_scoped3A_56 = tpu.sem_alloc : memref<!tpu.dma_semaphore, #tpu.memory_space<semaphore_mem>>
      %dma_start3A_57 = arith.constant 0 : i32
      %dma_start3A_58 = tpu.memref_slice %arg8[%run_scoped3A, %dma_start3A_57] : memref<158x128xi32, #tpu.memory_space<vmem>> -> memref<1x128xi32, #tpu.memory_space<vmem>>
      %dma_start3A_59 = tpu.memref_squeeze %dma_start3A_58 : memref<1x128xi32, #tpu.memory_space<vmem>> -> memref<128xi32, #tpu.memory_space<vmem>>
      %dma_start3A_60 = arith.constant 0 : i32
      %dma_start3A_61 = arith.constant 0 : i32
      %dma_start3A_62 = tpu.memref_slice %arg11[%dma_start3A_60, %dma_start3A_61] : memref<10240x64xbf16, #tpu.memory_space<vmem_shared>> -> memref<10240x64xbf16, #tpu.memory_space<vmem_shared>>
      tpu.enqueue_indirect_dma source(%arg9 : memref<128x64xbf16, #tpu.memory_space<vmem>>) target(%dma_start3A_62 : memref<10240x64xbf16, #tpu.memory_space<vmem_shared>>) offsets(%dma_start3A_59 : memref<128xi32, #tpu.memory_space<vmem>>) semaphore(%run_scoped3A_56 : memref<!tpu.dma_semaphore, #tpu.memory_space<semaphore_mem>>) {add = true}
      %dma_wait3A_63 = arith.constant 0 : i32
      %dma_wait3A_64 = tpu.memref_slice %arg8[%run_scoped3A, %dma_wait3A_63] : memref<158x128xi32, #tpu.memory_space<vmem>> -> memref<1x128xi32, #tpu.memory_space<vmem>>
      %dma_wait3A_65 = tpu.memref_squeeze %dma_wait3A_64 : memref<1x128xi32, #tpu.memory_space<vmem>> -> memref<128xi32, #tpu.memory_space<vmem>>
      %dma_wait3A_66 = arith.constant 0 : i32
      %dma_wait3A_67 = arith.constant 0 : i32
      %dma_wait3A_68 = tpu.memref_slice %arg11[%dma_wait3A_66, %dma_wait3A_67] : memref<10240x64xbf16, #tpu.memory_space<vmem_shared>> -> memref<10240x64xbf16, #tpu.memory_space<vmem_shared>>
      tpu.wait_indirect_dma semaphore(%run_scoped3A_56 : memref<!tpu.dma_semaphore, #tpu.memory_space<semaphore_mem>>) src(%arg9 : memref<128x64xbf16, #tpu.memory_space<vmem>>) dst(%dma_wait3A_68 : memref<10240x64xbf16, #tpu.memory_space<vmem_shared>>)
      tpu.yield
    }) : () -> ()
    %dma_wait3A_39 = arith.constant 157 : i32
    %dma_wait3A_40 = arith.constant 0 : i32
    %dma_wait3A_41 = tpu.memref_slice %arg7[%dma_wait3A_39, %dma_wait3A_40] : memref<158x128xi32, #tpu.memory_space<vmem>> -> memref<1x128xi32, #tpu.memory_space<vmem>>
    %dma_wait3A_42 = tpu.memref_squeeze %dma_wait3A_41 : memref<1x128xi32, #tpu.memory_space<vmem>> -> memref<128xi32, #tpu.memory_space<vmem>>
    %dma_wait3A_43 = arith.constant 0 : i32
    %dma_wait3A_44 = arith.constant 0 : i32
    %dma_wait3A_45 = tpu.memref_slice %arg2[%arg0, %dma_wait3A_43, %dma_wait3A_44] : memref<2x10240x64xbf16, #tpu.memory_space<hbm>> -> memref<1x10240x64xbf16, #tpu.memory_space<hbm>>
    %dma_wait3A_46 = tpu.memref_squeeze %dma_wait3A_45 : memref<1x10240x64xbf16, #tpu.memory_space<hbm>> -> memref<10240x64xbf16, #tpu.memory_space<hbm>>
    %dma_wait3A_47 = arith.constant 0 : i32
    %dma_wait3A_48 = arith.constant 0 : i32
    %dma_wait3A_49 = tpu.memref_slice %dma_wait3A_46[%dma_wait3A_47, %dma_wait3A_48] : memref<10240x64xbf16, #tpu.memory_space<hbm>> -> memref<10240x64xbf16, #tpu.memory_space<hbm>>
    tpu.wait_indirect_dma semaphore(%arg13 : memref<!tpu.dma_semaphore, #tpu.memory_space<semaphore_mem>>) src(%dma_wait3A_49 : memref<10240x64xbf16, #tpu.memory_space<hbm>>) dst(%arg10 : memref<128x64xbf16, #tpu.memory_space<vmem>>)
    %run_scoped3A_50 = arith.constant 157 : i32
    "tpu.region"() ({
      %run_scoped3A_56 = tpu.sem_alloc : memref<!tpu.dma_semaphore, #tpu.memory_space<semaphore_mem>>
      %dma_start3A_57 = arith.constant 0 : i32
      %dma_start3A_58 = tpu.memref_slice %arg8[%run_scoped3A_50, %dma_start3A_57] : memref<158x128xi32, #tpu.memory_space<vmem>> -> memref<1x128xi32, #tpu.memory_space<vmem>>
      %dma_start3A_59 = tpu.memref_squeeze %dma_start3A_58 : memref<1x128xi32, #tpu.memory_space<vmem>> -> memref<128xi32, #tpu.memory_space<vmem>>
      %dma_start3A_60 = arith.constant 0 : i32
      %dma_start3A_61 = arith.constant 0 : i32
      %dma_start3A_62 = tpu.memref_slice %arg11[%dma_start3A_60, %dma_start3A_61] : memref<10240x64xbf16, #tpu.memory_space<vmem_shared>> -> memref<10240x64xbf16, #tpu.memory_space<vmem_shared>>
      tpu.enqueue_indirect_dma source(%arg10 : memref<128x64xbf16, #tpu.memory_space<vmem>>) target(%dma_start3A_62 : memref<10240x64xbf16, #tpu.memory_space<vmem_shared>>) offsets(%dma_start3A_59 : memref<128xi32, #tpu.memory_space<vmem>>) semaphore(%run_scoped3A_56 : memref<!tpu.dma_semaphore, #tpu.memory_space<semaphore_mem>>) {add = true}
      %dma_wait3A_63 = arith.constant 0 : i32
      %dma_wait3A_64 = tpu.memref_slice %arg8[%run_scoped3A_50, %dma_wait3A_63] : memref<158x128xi32, #tpu.memory_space<vmem>> -> memref<1x128xi32, #tpu.memory_space<vmem>>
      %dma_wait3A_65 = tpu.memref_squeeze %dma_wait3A_64 : memref<1x128xi32, #tpu.memory_space<vmem>> -> memref<128xi32, #tpu.memory_space<vmem>>
      %dma_wait3A_66 = arith.constant 0 : i32
      %dma_wait3A_67 = arith.constant 0 : i32
      %dma_wait3A_68 = tpu.memref_slice %arg11[%dma_wait3A_66, %dma_wait3A_67] : memref<10240x64xbf16, #tpu.memory_space<vmem_shared>> -> memref<10240x64xbf16, #tpu.memory_space<vmem_shared>>
      tpu.wait_indirect_dma semaphore(%run_scoped3A_56 : memref<!tpu.dma_semaphore, #tpu.memory_space<semaphore_mem>>) src(%arg10 : memref<128x64xbf16, #tpu.memory_space<vmem>>) dst(%dma_wait3A_68 : memref<10240x64xbf16, #tpu.memory_space<vmem_shared>>)
      tpu.yield
    }) : () -> ()
    %barrier3A_51 = arith.constant 0 : index
    tpu.barrier barrier_id(%barrier3A_51)
    %mul3A_52 = arith.constant 640 : i32
    %mul3A_53 = arith.muli %arg1, %mul3A_52 : i32
    %mul3A_54 = arith.constant 640 : i32
    %mul3A_55 = arith.muli %arg1, %mul3A_54 : i32
    "tpu.region"() ({
      %run_scoped3A_56 = tpu.sem_alloc : memref<!tpu.dma_semaphore, #tpu.memory_space<semaphore_mem>>
      %dma_start3A_57 = arith.constant 0 : i32
      %dma_start3A_58 = tpu.memref_slice %arg6[%arg0, %mul3A_55, %dma_start3A_57] : memref<2x10240x64xbf16, #tpu.memory_space<hbm>> -> memref<1x640x64xbf16, #tpu.memory_space<hbm>>
      %dma_start3A_59 = tpu.memref_squeeze %dma_start3A_58 : memref<1x640x64xbf16, #tpu.memory_space<hbm>> -> memref<640x64xbf16, #tpu.memory_space<hbm>>
      %dma_start3A_60 = arith.constant 0 : i32
      %dma_start3A_61 = tpu.memref_slice %arg11[%mul3A_53, %dma_start3A_60] : memref<10240x64xbf16, #tpu.memory_space<vmem_shared>> -> memref<640x64xbf16, #tpu.memory_space<vmem_shared>>
      tpu.enqueue_dma source(%dma_start3A_61 : memref<640x64xbf16, #tpu.memory_space<vmem_shared>>) target(%dma_start3A_59 : memref<640x64xbf16, #tpu.memory_space<hbm>>) target_semaphore(%run_scoped3A_56 : memref<!tpu.dma_semaphore, #tpu.memory_space<semaphore_mem>>)
      %dma_wait3A_62 = arith.constant 0 : i32
      %dma_wait3A_63 = tpu.memref_slice %arg6[%arg0, %mul3A_55, %dma_wait3A_62] : memref<2x10240x64xbf16, #tpu.memory_space<hbm>> -> memref<1x640x64xbf16, #tpu.memory_space<hbm>>
      %dma_wait3A_64 = tpu.memref_squeeze %dma_wait3A_63 : memref<1x640x64xbf16, #tpu.memory_space<hbm>> -> memref<640x64xbf16, #tpu.memory_space<hbm>>
      %dma_wait3A_65 = arith.constant 0 : i32
      %dma_wait3A_66 = tpu.memref_slice %arg11[%mul3A_53, %dma_wait3A_65] : memref<10240x64xbf16, #tpu.memory_space<vmem_shared>> -> memref<640x64xbf16, #tpu.memory_space<vmem_shared>>
      tpu.wait_dma2 semaphore(%run_scoped3A_56 : memref<!tpu.dma_semaphore, #tpu.memory_space<semaphore_mem>>) src(%dma_wait3A_66 : memref<640x64xbf16, #tpu.memory_space<vmem_shared>>) dst(%dma_wait3A_64 : memref<640x64xbf16, #tpu.memory_space<hbm>>)
      tpu.yield
    }) : () -> ()
    return
  }
}

module attributes {stable_mosaic.version = 14 : i64} {
  func.func @_mm_body(%arg0: i32, %arg1: memref<512x128xf32, #tpu.memory_space<vmem>>, %arg2: memref<128x128xf32, #tpu.memory_space<vmem>>, %arg3: memref<512x128xf32, #tpu.memory_space<vmem>>) attributes {dimension_semantics = [#tpu.dimension_semantics<arbitrary>], iteration_bounds = array<i64: 20>, scalar_prefetch = 0 : i64, scratch_operands = 0 : i64, tpu.core_type = #tpu.core_type<tc>, window_params = [{transform_indices = @transform_0, window_bounds = array<i64: 512, 128>}, {pipeline_mode = #tpu.pipeline_mode<synchronous>, transform_indices = @transform_1, window_bounds = array<i64: 128, 128>}, {transform_indices = @transform_2, window_bounds = array<i64: 512, 128>}]} {
    %get3A = arith.constant 0 : index
    %get3A_0 = arith.constant 0 : index
    %get3A_1 = vector.load %arg1[%get3A, %get3A_0] : memref<512x128xf32, #tpu.memory_space<vmem>>, vector<512x128xf32>
    %get3A_2 = arith.constant 0 : index
    %get3A_3 = arith.constant 0 : index
    %get3A_4 = vector.load %arg2[%get3A_2, %get3A_3] : memref<128x128xf32, #tpu.memory_space<vmem>>, vector<128x128xf32>
    %dot_general3A = arith.constant dense<0.000000e+00> : vector<512x128xf32>
    %dot_general3A_5 = tpu.matmul %get3A_1, %get3A_4, %dot_general3A {dimension_numbers = #tpu.dot_dimension_numbers<[1], [0], [0], [1], [0, 0, 1, 1], [], []>, transpose_lhs_hint = false} : vector<512x128xf32>, vector<128x128xf32>, vector<512x128xf32> -> vector<512x128xf32>
    %swap3A = arith.constant 0 : index
    %swap3A_6 = arith.constant 0 : index
    %swap3A_7 = vector.load %arg3[%swap3A, %swap3A_6] : memref<512x128xf32, #tpu.memory_space<vmem>>, vector<512x128xf32>
    tpu.vector_store %arg3[%swap3A, %swap3A_6], %dot_general3A_5 {strides = array<i32>} : memref<512x128xf32, #tpu.memory_space<vmem>>, vector<512x128xf32>,
    return
  }
  func.func @transform_0(%arg0: i32) -> (i32, i32) {
    %c0_i32 = arith.constant 0 : i32
    %c0_i32_0 = arith.constant 0 : i32
    return %arg0, %c0_i32 : i32, i32
  }
  func.func @transform_1(%arg0: i32) -> (i32, i32) {
    %c0_i32 = arith.constant 0 : i32
    %c0_i32_0 = arith.constant 0 : i32
    %c0_i32_1 = arith.constant 0 : i32
    return %c0_i32, %c0_i32_0 : i32, i32
  }
  func.func @transform_2(%arg0: i32) -> (i32, i32) {
    %c0_i32 = arith.constant 0 : i32
    %c0_i32_0 = arith.constant 0 : i32
    return %arg0, %c0_i32 : i32, i32
  }
}

module attributes {stable_mosaic.version = 14 : i64} {
  func.func @_scale_body(%arg0: i32, %arg1: memref<2x512x64xf32, #tpu.memory_space<vmem>>, %arg2: memref<512x128xf32, #tpu.memory_space<vmem>>, %arg3: memref<2x512x64xbf16, #tpu.memory_space<vmem>>) attributes {dimension_semantics = [#tpu.dimension_semantics<arbitrary>], iteration_bounds = array<i64: 20>, scalar_prefetch = 0 : i64, scratch_operands = 0 : i64, tpu.core_type = #tpu.core_type<tc>, window_params = [{transform_indices = @transform_0, window_bounds = array<i64: 2, 512, 64>}, {transform_indices = @transform_1, window_bounds = array<i64: 512, 128>}, {transform_indices = @transform_2, window_bounds = array<i64: 2, 512, 64>}]} {
    %get3A = arith.constant 0 : index
    %get3A_0 = arith.constant 0 : index
    %get3A_1 = arith.constant 0 : index
    %get3A_2 = vector.load %arg1[%get3A, %get3A_0, %get3A_1] : memref<2x512x64xf32, #tpu.memory_space<vmem>>, vector<1x512x1xf32>
    %get3A_3 = vector.shape_cast %get3A_2 : vector<1x512x1xf32> to vector<512x1xf32>
    %get3A_4 = arith.constant 1 : index
    %get3A_5 = arith.constant 0 : index
    %get3A_6 = arith.constant 0 : index
    %get3A_7 = vector.load %arg1[%get3A_4, %get3A_5, %get3A_6] : memref<2x512x64xf32, #tpu.memory_space<vmem>>, vector<1x512x1xf32>
    %get3A_8 = vector.shape_cast %get3A_7 : vector<1x512x1xf32> to vector<512x1xf32>
    %add3A = arith.addf %get3A_3, %get3A_8 : vector<512x1xf32>
    %add3A_9 = arith.constant 1.000000e+00 : f32
    %add3A_10 = vector.broadcast %add3A_9 : f32 to vector<512x1xf32>
    %add3A_11 = arith.addf %add3A, %add3A_10 : vector<512x1xf32>
    %rsqrt3A = math.rsqrt %add3A_11 : vector<512x1xf32>
    %get3A_12 = arith.constant 0 : index
    %get3A_13 = arith.constant 0 : index
    %get3A_14 = vector.load %arg2[%get3A_12, %get3A_13] : memref<512x128xf32, #tpu.memory_space<vmem>>, vector<512x128xf32>
    %mul3A = vector.broadcast %rsqrt3A : vector<512x1xf32> to vector<512x128xf32>
    %mul3A_15 = arith.mulf %mul3A, %get3A_14 : vector<512x128xf32>
    %convert_element_type3A = arith.truncf %mul3A_15 : vector<512x128xf32> to vector<512x128xbf16>
    %slice3A = vector.extract_strided_slice %convert_element_type3A {offsets = [0, 0], sizes = [512, 64], strides = [1, 1]} : vector<512x128xbf16> to vector<512x64xbf16>
    %swap3A = arith.constant 0 : index
    %swap3A_16 = arith.constant 0 : index
    %swap3A_17 = arith.constant 0 : index
    %swap3A_18 = vector.load %arg3[%swap3A, %swap3A_16, %swap3A_17] : memref<2x512x64xbf16, #tpu.memory_space<vmem>>, vector<1x512x64xbf16>
    %swap3A_19 = vector.shape_cast %swap3A_18 : vector<1x512x64xbf16> to vector<512x64xbf16>
    %swap3A_20 = vector.shape_cast %slice3A : vector<512x64xbf16> to vector<1x512x64xbf16>
    tpu.vector_store %arg3[%swap3A, %swap3A_16, %swap3A_17], %swap3A_20 {strides = array<i32>} : memref<2x512x64xbf16, #tpu.memory_space<vmem>>, vector<1x512x64xbf16>,
    %slice3A_21 = vector.extract_strided_slice %convert_element_type3A {offsets = [0, 64], sizes = [512, 64], strides = [1, 1]} : vector<512x128xbf16> to vector<512x64xbf16>
    %swap3A_22 = arith.constant 1 : index
    %swap3A_23 = arith.constant 0 : index
    %swap3A_24 = arith.constant 0 : index
    %swap3A_25 = vector.load %arg3[%swap3A_22, %swap3A_23, %swap3A_24] : memref<2x512x64xbf16, #tpu.memory_space<vmem>>, vector<1x512x64xbf16>
    %swap3A_26 = vector.shape_cast %swap3A_25 : vector<1x512x64xbf16> to vector<512x64xbf16>
    %swap3A_27 = vector.shape_cast %slice3A_21 : vector<512x64xbf16> to vector<1x512x64xbf16>
    tpu.vector_store %arg3[%swap3A_22, %swap3A_23, %swap3A_24], %swap3A_27 {strides = array<i32>} : memref<2x512x64xbf16, #tpu.memory_space<vmem>>, vector<1x512x64xbf16>,
    return
  }
  func.func @transform_0(%arg0: i32) -> (i32, i32, i32) {
    %c0_i32 = arith.constant 0 : i32
    %c0_i32_0 = arith.constant 0 : i32
    %c0_i32_1 = arith.constant 0 : i32
    return %c0_i32, %arg0, %c0_i32_0 : i32, i32, i32
  }
  func.func @transform_1(%arg0: i32) -> (i32, i32) {
    %c0_i32 = arith.constant 0 : i32
    %c0_i32_0 = arith.constant 0 : i32
    return %arg0, %c0_i32 : i32, i32
  }
  func.func @transform_2(%arg0: i32) -> (i32, i32, i32) {
    %c0_i32 = arith.constant 0 : i32
    %c0_i32_0 = arith.constant 0 : i32
    %c0_i32_1 = arith.constant 0 : i32
    return %c0_i32, %arg0, %c0_i32_0 : i32, i32, i32
  }
}

module attributes {stable_mosaic.version = 14 : i64} {
  func.func @_mid_body(%arg0: i32, %arg1: memref<2x512x64xf32, #tpu.memory_space<vmem>>, %arg2: memref<2x512x64xbf16, #tpu.memory_space<vmem>>, %arg3: memref<2x512x64xbf16, #tpu.memory_space<vmem>>, %arg4: memref<1x128xf32, #tpu.memory_space<vmem>>, %arg5: memref<128x128xf32, #tpu.memory_space<vmem>>, %arg6: memref<2x512x64xbf16, #tpu.memory_space<vmem>>) attributes {dimension_semantics = [#tpu.dimension_semantics<arbitrary>], iteration_bounds = array<i64: 20>, scalar_prefetch = 0 : i64, scratch_operands = 0 : i64, tpu.core_type = #tpu.core_type<tc>, window_params = [{transform_indices = @transform_0, window_bounds = array<i64: 2, 512, 64>}, {transform_indices = @transform_1, window_bounds = array<i64: 2, 512, 64>}, {transform_indices = @transform_2, window_bounds = array<i64: 2, 512, 64>}, {pipeline_mode = #tpu.pipeline_mode<synchronous>, transform_indices = @transform_3, window_bounds = array<i64: 1, 128>}, {pipeline_mode = #tpu.pipeline_mode<synchronous>, transform_indices = @transform_4, window_bounds = array<i64: 128, 128>}, {transform_indices = @transform_5, window_bounds = array<i64: 2, 512, 64>}]} {
    %get3A = arith.constant 0 : index
    %get3A_0 = arith.constant 0 : index
    %get3A_1 = arith.constant 0 : index
    %get3A_2 = vector.load %arg1[%get3A, %get3A_0, %get3A_1] : memref<2x512x64xf32, #tpu.memory_space<vmem>>, vector<1x512x1xf32>
    %get3A_3 = vector.shape_cast %get3A_2 : vector<1x512x1xf32> to vector<512x1xf32>
    %get3A_4 = arith.constant 1 : index
    %get3A_5 = arith.constant 0 : index
    %get3A_6 = arith.constant 0 : index
    %get3A_7 = vector.load %arg1[%get3A_4, %get3A_5, %get3A_6] : memref<2x512x64xf32, #tpu.memory_space<vmem>>, vector<1x512x1xf32>
    %get3A_8 = vector.shape_cast %get3A_7 : vector<1x512x1xf32> to vector<512x1xf32>
    %add3A = arith.addf %get3A_3, %get3A_8 : vector<512x1xf32>
    %add3A_9 = arith.constant 1.000000e+00 : f32
    %add3A_10 = vector.broadcast %add3A_9 : f32 to vector<512x1xf32>
    %add3A_11 = arith.addf %add3A, %add3A_10 : vector<512x1xf32>
    %rsqrt3A = math.rsqrt %add3A_11 : vector<512x1xf32>
    %get3A_12 = arith.constant 0 : index
    %get3A_13 = arith.constant 0 : index
    %get3A_14 = arith.constant 0 : index
    %get3A_15 = vector.load %arg2[%get3A_12, %get3A_13, %get3A_14] : memref<2x512x64xbf16, #tpu.memory_space<vmem>>, vector<1x512x64xbf16>
    %get3A_16 = vector.shape_cast %get3A_15 : vector<1x512x64xbf16> to vector<512x64xbf16>
    %convert_element_type3A = arith.extf %get3A_16 : vector<512x64xbf16> to vector<512x64xf32>
    %get3A_17 = arith.constant 0 : index
    %get3A_18 = arith.constant 0 : index
    %get3A_19 = arith.constant 0 : index
    %get3A_20 = vector.load %arg3[%get3A_17, %get3A_18, %get3A_19] : memref<2x512x64xbf16, #tpu.memory_space<vmem>>, vector<1x512x64xbf16>
    %get3A_21 = vector.shape_cast %get3A_20 : vector<1x512x64xbf16> to vector<512x64xbf16>
    %convert_element_type3A_22 = arith.extf %get3A_21 : vector<512x64xbf16> to vector<512x64xf32>
    %add3A_23 = arith.addf %convert_element_type3A, %convert_element_type3A_22 : vector<512x64xf32>
    %get3A_24 = arith.constant 1 : index
    %get3A_25 = arith.constant 0 : index
    %get3A_26 = arith.constant 0 : index
    %get3A_27 = vector.load %arg2[%get3A_24, %get3A_25, %get3A_26] : memref<2x512x64xbf16, #tpu.memory_space<vmem>>, vector<1x512x64xbf16>
    %get3A_28 = vector.shape_cast %get3A_27 : vector<1x512x64xbf16> to vector<512x64xbf16>
    %convert_element_type3A_29 = arith.extf %get3A_28 : vector<512x64xbf16> to vector<512x64xf32>
    %get3A_30 = arith.constant 1 : index
    %get3A_31 = arith.constant 0 : index
    %get3A_32 = arith.constant 0 : index
    %get3A_33 = vector.load %arg3[%get3A_30, %get3A_31, %get3A_32] : memref<2x512x64xbf16, #tpu.memory_space<vmem>>, vector<1x512x64xbf16>
    %get3A_34 = vector.shape_cast %get3A_33 : vector<1x512x64xbf16> to vector<512x64xbf16>
    %convert_element_type3A_35 = arith.extf %get3A_34 : vector<512x64xbf16> to vector<512x64xf32>
    %add3A_36 = arith.addf %convert_element_type3A_29, %convert_element_type3A_35 : vector<512x64xf32>
    %concatenate3A = tpu.concatenate %add3A_23, %add3A_36 in 1 : vector<512x64xf32>, vector<512x64xf32> -> vector<512x128xf32>
    %mul3A = vector.broadcast %rsqrt3A : vector<512x1xf32> to vector<512x128xf32>
    %mul3A_37 = arith.mulf %mul3A, %concatenate3A : vector<512x128xf32>
    %get3A_38 = arith.constant 0 : index
    %get3A_39 = arith.constant 0 : index
    %get3A_40 = vector.load %arg4[%get3A_38, %get3A_39] : memref<1x128xf32, #tpu.memory_space<vmem>>, vector<1x128xf32>
    %add3A_41 = vector.broadcast %get3A_40 : vector<1x128xf32> to vector<512x128xf32>
    %add3A_42 = arith.addf %mul3A_37, %add3A_41 : vector<512x128xf32>
    %max3A = arith.constant 0.000000e+00 : f32
    %max3A_43 = vector.broadcast %max3A : f32 to vector<512x128xf32>
    %max3A_44 = arith.maximumf %add3A_42, %max3A_43 : vector<512x128xf32>
    %get3A_45 = arith.constant 0 : index
    %get3A_46 = arith.constant 0 : index
    %get3A_47 = vector.load %arg5[%get3A_45, %get3A_46] : memref<128x128xf32, #tpu.memory_space<vmem>>, vector<128x128xf32>
    %dot_general3A = arith.constant dense<0.000000e+00> : vector<512x128xf32>
    %dot_general3A_48 = tpu.matmul %max3A_44, %get3A_47, %dot_general3A {dimension_numbers = #tpu.dot_dimension_numbers<[1], [0], [0], [1], [0, 0, 1, 1], [], []>, transpose_lhs_hint = false} : vector<512x128xf32>, vector<128x128xf32>, vector<512x128xf32> -> vector<512x128xf32>
    %mul3A_49 = vector.broadcast %rsqrt3A : vector<512x1xf32> to vector<512x128xf32>
    %mul3A_50 = arith.mulf %mul3A_49, %dot_general3A_48 : vector<512x128xf32>
    %convert_element_type3A_51 = arith.truncf %mul3A_50 : vector<512x128xf32> to vector<512x128xbf16>
    %slice3A = vector.extract_strided_slice %convert_element_type3A_51 {offsets = [0, 0], sizes = [512, 64], strides = [1, 1]} : vector<512x128xbf16> to vector<512x64xbf16>
    %swap3A = arith.constant 0 : index
    %swap3A_52 = arith.constant 0 : index
    %swap3A_53 = arith.constant 0 : index
    %swap3A_54 = vector.load %arg6[%swap3A, %swap3A_52, %swap3A_53] : memref<2x512x64xbf16, #tpu.memory_space<vmem>>, vector<1x512x64xbf16>
    %swap3A_55 = vector.shape_cast %swap3A_54 : vector<1x512x64xbf16> to vector<512x64xbf16>
    %swap3A_56 = vector.shape_cast %slice3A : vector<512x64xbf16> to vector<1x512x64xbf16>
    tpu.vector_store %arg6[%swap3A, %swap3A_52, %swap3A_53], %swap3A_56 {strides = array<i32>} : memref<2x512x64xbf16, #tpu.memory_space<vmem>>, vector<1x512x64xbf16>,
    %slice3A_57 = vector.extract_strided_slice %convert_element_type3A_51 {offsets = [0, 64], sizes = [512, 64], strides = [1, 1]} : vector<512x128xbf16> to vector<512x64xbf16>
    %swap3A_58 = arith.constant 1 : index
    %swap3A_59 = arith.constant 0 : index
    %swap3A_60 = arith.constant 0 : index
    %swap3A_61 = vector.load %arg6[%swap3A_58, %swap3A_59, %swap3A_60] : memref<2x512x64xbf16, #tpu.memory_space<vmem>>, vector<1x512x64xbf16>
    %swap3A_62 = vector.shape_cast %swap3A_61 : vector<1x512x64xbf16> to vector<512x64xbf16>
    %swap3A_63 = vector.shape_cast %slice3A_57 : vector<512x64xbf16> to vector<1x512x64xbf16>
    tpu.vector_store %arg6[%swap3A_58, %swap3A_59, %swap3A_60], %swap3A_63 {strides = array<i32>} : memref<2x512x64xbf16, #tpu.memory_space<vmem>>, vector<1x512x64xbf16>,
    return
  }
  func.func @transform_0(%arg0: i32) -> (i32, i32, i32) {
    %c0_i32 = arith.constant 0 : i32
    %c0_i32_0 = arith.constant 0 : i32
    %c0_i32_1 = arith.constant 0 : i32
    return %c0_i32, %arg0, %c0_i32_0 : i32, i32, i32
  }
  func.func @transform_1(%arg0: i32) -> (i32, i32, i32) {
    %c0_i32 = arith.constant 0 : i32
    %c0_i32_0 = arith.constant 0 : i32
    %c0_i32_1 = arith.constant 0 : i32
    return %c0_i32, %arg0, %c0_i32_0 : i32, i32, i32
  }
  func.func @transform_2(%arg0: i32) -> (i32, i32, i32) {
    %c0_i32 = arith.constant 0 : i32
    %c0_i32_0 = arith.constant 0 : i32
    %c0_i32_1 = arith.constant 0 : i32
    return %c0_i32, %arg0, %c0_i32_0 : i32, i32, i32
  }
  func.func @transform_3(%arg0: i32) -> (i32, i32) {
    %c0_i32 = arith.constant 0 : i32
    %c0_i32_0 = arith.constant 0 : i32
    %c0_i32_1 = arith.constant 0 : i32
    return %c0_i32, %c0_i32_0 : i32, i32
  }
  func.func @transform_4(%arg0: i32) -> (i32, i32) {
    %c0_i32 = arith.constant 0 : i32
    %c0_i32_0 = arith.constant 0 : i32
    %c0_i32_1 = arith.constant 0 : i32
    return %c0_i32, %c0_i32_0 : i32, i32
  }
  func.func @transform_5(%arg0: i32) -> (i32, i32, i32) {
    %c0_i32 = arith.constant 0 : i32
    %c0_i32_0 = arith.constant 0 : i32
    %c0_i32_1 = arith.constant 0 : i32
    return %c0_i32, %arg0, %c0_i32_0 : i32, i32, i32
  }
}

module attributes {stable_mosaic.version = 14 : i64} {
  func.func @_last_body(%arg0: i32, %arg1: memref<2x512x64xf32, #tpu.memory_space<vmem>>, %arg2: memref<2x512x64xbf16, #tpu.memory_space<vmem>>, %arg3: memref<2x512x64xbf16, #tpu.memory_space<vmem>>, %arg4: memref<1x128xf32, #tpu.memory_space<vmem>>, %arg5: memref<512x128xf32, #tpu.memory_space<vmem>>) attributes {dimension_semantics = [#tpu.dimension_semantics<arbitrary>], iteration_bounds = array<i64: 20>, scalar_prefetch = 0 : i64, scratch_operands = 0 : i64, tpu.core_type = #tpu.core_type<tc>, window_params = [{transform_indices = @transform_0, window_bounds = array<i64: 2, 512, 64>}, {transform_indices = @transform_1, window_bounds = array<i64: 2, 512, 64>}, {transform_indices = @transform_2, window_bounds = array<i64: 2, 512, 64>}, {pipeline_mode = #tpu.pipeline_mode<synchronous>, transform_indices = @transform_3, window_bounds = array<i64: 1, 128>}, {transform_indices = @transform_4, window_bounds = array<i64: 512, 128>}]} {
    %get3A = arith.constant 0 : index
    %get3A_0 = arith.constant 0 : index
    %get3A_1 = arith.constant 0 : index
    %get3A_2 = vector.load %arg1[%get3A, %get3A_0, %get3A_1] : memref<2x512x64xf32, #tpu.memory_space<vmem>>, vector<1x512x1xf32>
    %get3A_3 = vector.shape_cast %get3A_2 : vector<1x512x1xf32> to vector<512x1xf32>
    %get3A_4 = arith.constant 1 : index
    %get3A_5 = arith.constant 0 : index
    %get3A_6 = arith.constant 0 : index
    %get3A_7 = vector.load %arg1[%get3A_4, %get3A_5, %get3A_6] : memref<2x512x64xf32, #tpu.memory_space<vmem>>, vector<1x512x1xf32>
    %get3A_8 = vector.shape_cast %get3A_7 : vector<1x512x1xf32> to vector<512x1xf32>
    %add3A = arith.addf %get3A_3, %get3A_8 : vector<512x1xf32>
    %add3A_9 = arith.constant 1.000000e+00 : f32
    %add3A_10 = vector.broadcast %add3A_9 : f32 to vector<512x1xf32>
    %add3A_11 = arith.addf %add3A, %add3A_10 : vector<512x1xf32>
    %rsqrt3A = math.rsqrt %add3A_11 : vector<512x1xf32>
    %get3A_12 = arith.constant 0 : index
    %get3A_13 = arith.constant 0 : index
    %get3A_14 = arith.constant 0 : index
    %get3A_15 = vector.load %arg2[%get3A_12, %get3A_13, %get3A_14] : memref<2x512x64xbf16, #tpu.memory_space<vmem>>, vector<1x512x64xbf16>
    %get3A_16 = vector.shape_cast %get3A_15 : vector<1x512x64xbf16> to vector<512x64xbf16>
    %convert_element_type3A = arith.extf %get3A_16 : vector<512x64xbf16> to vector<512x64xf32>
    %get3A_17 = arith.constant 0 : index
    %get3A_18 = arith.constant 0 : index
    %get3A_19 = arith.constant 0 : index
    %get3A_20 = vector.load %arg3[%get3A_17, %get3A_18, %get3A_19] : memref<2x512x64xbf16, #tpu.memory_space<vmem>>, vector<1x512x64xbf16>
    %get3A_21 = vector.shape_cast %get3A_20 : vector<1x512x64xbf16> to vector<512x64xbf16>
    %convert_element_type3A_22 = arith.extf %get3A_21 : vector<512x64xbf16> to vector<512x64xf32>
    %add3A_23 = arith.addf %convert_element_type3A, %convert_element_type3A_22 : vector<512x64xf32>
    %get3A_24 = arith.constant 1 : index
    %get3A_25 = arith.constant 0 : index
    %get3A_26 = arith.constant 0 : index
    %get3A_27 = vector.load %arg2[%get3A_24, %get3A_25, %get3A_26] : memref<2x512x64xbf16, #tpu.memory_space<vmem>>, vector<1x512x64xbf16>
    %get3A_28 = vector.shape_cast %get3A_27 : vector<1x512x64xbf16> to vector<512x64xbf16>
    %convert_element_type3A_29 = arith.extf %get3A_28 : vector<512x64xbf16> to vector<512x64xf32>
    %get3A_30 = arith.constant 1 : index
    %get3A_31 = arith.constant 0 : index
    %get3A_32 = arith.constant 0 : index
    %get3A_33 = vector.load %arg3[%get3A_30, %get3A_31, %get3A_32] : memref<2x512x64xbf16, #tpu.memory_space<vmem>>, vector<1x512x64xbf16>
    %get3A_34 = vector.shape_cast %get3A_33 : vector<1x512x64xbf16> to vector<512x64xbf16>
    %convert_element_type3A_35 = arith.extf %get3A_34 : vector<512x64xbf16> to vector<512x64xf32>
    %add3A_36 = arith.addf %convert_element_type3A_29, %convert_element_type3A_35 : vector<512x64xf32>
    %concatenate3A = tpu.concatenate %add3A_23, %add3A_36 in 1 : vector<512x64xf32>, vector<512x64xf32> -> vector<512x128xf32>
    %mul3A = vector.broadcast %rsqrt3A : vector<512x1xf32> to vector<512x128xf32>
    %mul3A_37 = arith.mulf %mul3A, %concatenate3A : vector<512x128xf32>
    %get3A_38 = arith.constant 0 : index
    %get3A_39 = arith.constant 0 : index
    %get3A_40 = vector.load %arg4[%get3A_38, %get3A_39] : memref<1x128xf32, #tpu.memory_space<vmem>>, vector<1x128xf32>
    %add3A_41 = vector.broadcast %get3A_40 : vector<1x128xf32> to vector<512x128xf32>
    %add3A_42 = arith.addf %mul3A_37, %add3A_41 : vector<512x128xf32>
    %swap3A = arith.constant 0 : index
    %swap3A_43 = arith.constant 0 : index
    %swap3A_44 = vector.load %arg5[%swap3A, %swap3A_43] : memref<512x128xf32, #tpu.memory_space<vmem>>, vector<512x128xf32>
    tpu.vector_store %arg5[%swap3A, %swap3A_43], %add3A_42 {strides = array<i32>} : memref<512x128xf32, #tpu.memory_space<vmem>>, vector<512x128xf32>,
    return
  }
  func.func @transform_0(%arg0: i32) -> (i32, i32, i32) {
    %c0_i32 = arith.constant 0 : i32
    %c0_i32_0 = arith.constant 0 : i32
    %c0_i32_1 = arith.constant 0 : i32
    return %c0_i32, %arg0, %c0_i32_0 : i32, i32, i32
  }
  func.func @transform_1(%arg0: i32) -> (i32, i32, i32) {
    %c0_i32 = arith.constant 0 : i32
    %c0_i32_0 = arith.constant 0 : i32
    %c0_i32_1 = arith.constant 0 : i32
    return %c0_i32, %arg0, %c0_i32_0 : i32, i32, i32
  }
  func.func @transform_2(%arg0: i32) -> (i32, i32, i32) {
    %c0_i32 = arith.constant 0 : i32
    %c0_i32_0 = arith.constant 0 : i32
    %c0_i32_1 = arith.constant 0 : i32
    return %c0_i32, %arg0, %c0_i32_0 : i32, i32, i32
  }
  func.func @transform_3(%arg0: i32) -> (i32, i32) {
    %c0_i32 = arith.constant 0 : i32
    %c0_i32_0 = arith.constant 0 : i32
    %c0_i32_1 = arith.constant 0 : i32
    return %c0_i32, %c0_i32_0 : i32, i32
  }
  func.func @transform_4(%arg0: i32) -> (i32, i32) {
    %c0_i32 = arith.constant 0 : i32
    %c0_i32_0 = arith.constant 0 : i32
    return %arg0, %c0_i32 : i32, i32
  }
}

</mosaic_0001>

<sc_bundles>
// kernel: kernel.11.cloned.1.call-start
scs
__scs_entry_jumppad:
0x0: {  	(pc) =	sbr.rel $0x88, $3  }
0x1: {  	(tag) =	ssettag $0x0;
	lr =	simm.s32 $0x1  }
0x2: {  	[smem:$0x3F99] =	sst lr;
	_ =	strace $0xD0000000  }
0x3: {  	_ = 	snop  }
0x4: {  	_ = 	snop  }
0x5: {  	_ = 	snop  }
0x6: {  	_ = 	snop  }
0x7: {  	_ = 	snop  }
__scs_overlays_trampoline_lowered:
0x8: {  	[smem:$0x3FA8] =	sst s0  }
0x9: {  	[smem:$0x3FA9] =	sst s1  }
0xa: {  	[smem:$0x3FAA] =	sst s2  }
0xb: {  	[smem:$0x3FAB] =	sst s3  }
0xc: {  	[smem:$0x3FAC] =	sst s4  }
0xd: {  	[smem:$0x3FAD] =	sst s5  }
0xe: {  	[smem:$0x3FAE] =	sst s6  }
0xf: {  	[smem:$0x3FAF] =	sst s7  }
0x10: {  	[smem:$0x3FB0] =	sst s8  }
0x11: {  	[smem:$0x3FB1] =	sst s9;
	s0 =	simm.s32 @!p0 $0x0  }
0x12: {  	s1 =	sld [smem:$0x3F97];
	s0 =	simm.s32 @p0 $0x1  }
0x13: {  	[smem:$0x3FB2] =	sst s0;
	s0 =	simm.s32 @!p1 $0x0  }
0x14: {  	s2 =	sld [smem:$0x3F96];
	s0 =	simm.s32 @p1 $0x1  }
0x15: {  	[smem:$0x3FB3] =	sst s0;
	s0 =	simm.s32 @!p2 $0x0  }
0x16: {  	s3 =	sld [smem:$0x3FDB];
	s0 =	simm.s32 @p2 $0x1  }
0x17: {  	s4 =	simm.s32 $0x1BF5;
	[smem:$0x3FB5] =	sst s0  }
0x18: {  	s0 =	sld [smem:$0x3F98];
	_ =	swait.ge [sflag:s4], $0x0  }
0x19: {  	s7 =	sld [smem:$0x3F99]  }
0x1a: {  	s8 =	sadd.s32 $0xFFFFE003, lr  }
0x1b: {  	s9 =	sadd.s32 $0xFFFFFEF7, lr;
	s5 =	simm.s32 $0xFFFFFFFF;
	p2 =	slt.u32 s8, $0xFFFFF086  }
0x1c: {  	p1 =	slt.u32 s9, $0xF7A;
	s5 =	simm.s32 @!p2 $0x0  }
0x1d: {  	s5 =	simm.s32 @p1 $0x1;
	p0 =	seq.s32 s7, s2  }
0x1e: {  	s7 =	smul.u32 @!p0 $0xF7A, s2;
	p2 =	seq.s32 @!p0 s5, $0x0  }
0x1f: {  	s9 =	smul.u32 $0xF7A, s1;
	s8 =	simm.s32 @!p0 $0x1BF5;
	p2 =	por !p2, p0  }
0x20: {  	[sflag:s8] =	ssyncset.s32 @!p0 $0xFFFFF086;
	s6 =	sadd.s32 @!p0 s3, s7;
	s7 =	simm.s32 @!p0 $0x108  }
0x21: {  	s3 =	sadd.s32 s3, s9;
	s6 =	sadd.s32 @!p0 $0x88, s6;
	s7 =	simm.s32 @p2 $0x1082  }
0x22: {  	[simem:s7], [sflag:s8] =	dma.local @!p0 [hbm:s6], $0xF7A  }
0x23: {  	s9 =	sor.u32 $0xD0000000, s2;
	s6 =	simm.s32 $0x108;
	_ =	swait.ge @!p0 [sflag:s8], $0x0  }
0x24: {  	s3 =	sadd.s32 $0x88, s3;
	s6 =	simm.s32 @!p1 $0x1082;
	[sflag:s4] =	ssyncset.s32 $0xFFFFF086  }
0x25: {  	[simem:s6], [sflag:s4] =	dma.local [hbm:s3], $0xF7A  }
0x26: {  	[smem:$0x3F99] =	sst s1;
	(tag) =	ssettag s2;
	_ =	strace s9  }
0x27: {  	s1 =	sld [smem:$0x3FA9]  }
0x28: {  	s2 =	sld [smem:$0x3FAA]  }
0x29: {  	s4 =	sld [smem:$0x3FAC]  }
0x2a: {  	p0 =	seq.s32 s5, $0x0;
	s5 =	sld [smem:$0x3FAD]  }
0x2b: {  	s6 =	sld [smem:$0x3FAE]  }
0x2c: {  	s7 =	sld [smem:$0x3FAF]  }
0x2d: {  	s3 =	simm.s32 $0x108;
	s8 =	sld [smem:$0x3FB0]  }
0x2e: {  	s3 =	simm.s32 @!p0 $0x1082;
	s9 =	sld [smem:$0x3FB1]  }
0x2f: {  	lr =	sadd.s32 s0, s3;
	s0 =	sld [smem:$0x3FA8]  }
0x30: {  	s3 =	sld [smem:$0x3FAB]  }
0x31: {  	[smem:$0x3FB4] =	sst s10  }
0x32: {  	s10 =	sld [smem:$0x3FB2];
	_ =	sdelay $0x3  }
0x33: {  	p0 =	seq.s32 s10, $0x1;
	s10 =	sld [smem:$0x3FB4];
	_ =	sdelay $0x3  }
0x34: {  	[smem:$0x3FB4] =	sst s10  }
0x35: {  	s10 =	sld [smem:$0x3FB3];
	_ =	sdelay $0x3  }
0x36: {  	p1 =	seq.s32 s10, $0x1;
	s10 =	sld [smem:$0x3FB4];
	_ =	sdelay $0x3  }
0x37: {  	[smem:$0x3FB4] =	sst s10  }
0x38: {  	s10 =	sld [smem:$0x3FB5]  }
0x39: {  	_ = 	snop;
	(pc) =	sbr.ind lr, $3  }
0x3a: {  	_ = 	snop  }
0x3b: {  	_ = 	snop  }
0x3c: {  	p2 =	seq.s32 s10, $0x1;
	s10 =	sld [smem:$0x3FB4]  }
0x3d: {  	_ =	shalt  }
0x3e: {  	_ =	shalt  }
0x3f: {  	_ =	shalt  }
0x40: {  	_ =	shalt  }
0x41: {  	_ =	shalt  }
0x42: {  	_ =	shalt  }
0x43: {  	_ =	shalt  }
0x44: {  	_ =	shalt  }
0x45: {  	_ =	shalt  }
0x46: {  	_ =	shalt  }
0x47: {  	_ =	shalt  }
0x48: {  	_ =	shalt  }
0x49: {  	_ =	shalt  }
0x4a: {  	_ =	shalt  }
0x4b: {  	_ =	shalt  }
0x4c: {  	_ =	shalt  }
0x4d: {  	_ =	shalt  }
0x4e: {  	_ =	shalt  }
0x4f: {  	_ =	shalt  }
0x50: {  	_ =	shalt  }
0x51: {  	_ =	shalt  }
0x52: {  	_ =	shalt  }
0x53: {  	_ =	shalt  }
0x54: {  	_ =	shalt  }
0x55: {  	_ =	shalt  }
0x56: {  	_ =	shalt  }
0x57: {  	_ =	shalt  }
0x58: {  	_ =	shalt  }
0x59: {  	_ =	shalt  }
0x5a: {  	_ =	shalt  }
0x5b: {  	_ =	shalt  }
0x5c: {  	_ =	shalt  }
0x5d: {  	_ =	shalt  }
0x5e: {  	_ =	shalt  }
0x5f: {  	_ =	shalt  }
0x60: {  	_ =	shalt  }
0x61: {  	_ =	shalt  }
0x62: {  	_ =	shalt  }
0x63: {  	_ =	shalt  }
0x64: {  	_ =	shalt  }
0x65: {  	_ =	shalt  }
0x66: {  	_ =	shalt  }
0x67: {  	_ =	shalt  }
0x68: {  	_ =	shalt  }
0x69: {  	_ =	shalt  }
0x6a: {  	_ =	shalt  }
0x6b: {  	_ =	shalt  }
0x6c: {  	_ =	shalt  }
0x6d: {  	_ =	shalt  }
0x6e: {  	_ =	shalt  }
0x6f: {  	_ =	shalt  }
0x70: {  	_ =	shalt  }
0x71: {  	_ =	shalt  }
0x72: {  	_ =	shalt  }
0x73: {  	_ =	shalt  }
0x74: {  	_ =	shalt  }
0x75: {  	_ =	shalt  }
0x76: {  	_ =	shalt  }
0x77: {  	_ =	shalt  }
0x78: {  	_ =	shalt  }
0x79: {  	_ =	shalt  }
0x7a: {  	_ =	shalt  }
0x7b: {  	_ =	shalt  }
0x7c: {  	_ =	shalt  }
0x7d: {  	_ =	shalt  }
0x7e: {  	_ =	shalt  }
0x7f: {  	_ =	shalt  }
0x80: {  	_ =	shalt  }
0x81: {  	_ =	shalt  }
0x82: {  	_ =	shalt  }
0x83: {  	_ =	shalt  }
0x84: {  	_ =	shalt  }
0x85: {  	_ =	shalt  }
0x86: {  	_ =	shalt  }
0x87: {  	_ =	shalt  }
.Lfunc_end0:
.L_simem_size_0:
called_computation_lowered:
.L_overlay_start_0:
0x88: {  	s2 =	sld [smem:$0x3FD9]  }
0x89: {  	s3 =	sld [smem:$0x3FFE];
	_ =	sdelay $0x1  }
0x8a: {  	s1 =	srdreg.scid  }
0x8b: {  	s0 =	sand.u32 $0x1, s1  }
0x8c: {  	s17 =	sshll.u32 s0, $0xA;
	s2 =	sadd.s32 s3, s2  }
0x8d: {  	s2 =	sadd.s32 s2, s17  }
0x8e: {  	[smem:$0x3FC0] =	sst s2  }
0x8f: {  	_ = 	snop  }
0x90: {  	s2 =	sld [smem:$0x3FD0];
	(tm) =	ssettm $0x1  }
0x91: {  	s18 =	sld [smem:$0x3FFB];
	_ =	sdelay $0x3  }
0x92: {  	_ =	strace s18  }
0x93: {  	s3 =	sld [smem:$0x3FFC];
	_ =	sdelay $0x3  }
0x94: {  	_ =	strace s3  }
0x95: {  	s3 =	sld [smem:$0x3FFD];
	_ =	sdelay $0x3  }
0x96: {  	_ =	strace s3  }
0x97: {  	_ =	strace $0x8FFFFFFF  }
0x98: {  	s19 =	sld [smem:$0x3FDB];
	_ =	sdelay $0x1  }
0x99: {  	s4 =	simm.s32 $_scs_section_size  }
0x9a: {  	s5 =	simm.s32 $_size__tile_overlayer_lowered;
	s6 =	simm.s32 $_tile_overlayer_lowered  }
0x9b: {  	s22 =	simm.s32 $0x1BFF;
	s21 =	sshll.u32 s6, $0x1;
	s3 =	sadd.s32 s4, s19  }
0x9c: {  	s7 =	simm.s32 $0x0;
	s20 =	sshll.u32 s5, $0x1;
	s5 =	sadd.s32 s21, s3  }
0x9d: {  	[timem:s7], [sflag:s22] =	dma.local [hbm:s5], s20  }
0x9e: {  	_ =	swait.ge [sflag:s22], s20  }
0x9f: {  	s4 =	ssub.s32 $0x0, s20;
	[sflag:s22] =	ssyncset.done $0x0  }
0xa0: {  	[sflag:s22] =	ssyncadd.s32 s4;
	_ =	sdelay $0x1  }
0xa1: {  	s23 =	simm.s32 $0x1B8B  }
0xa2: {  	_ =	swait.ge [sflag:s23], $0x1  }
0xa3: {  	[sflag:s23] =	ssyncset.done $0x0  }
0xa4: {  	s25 =	simm.s32 $0x1B8E;
	s24 =	sld [smem:$0x3FFE];
	[sflag:s23] =	ssyncadd.s32 $0xFFFFFFFF  }
0xa5: {  	s26 =	simm.s32 $execute0_lowered;
	[smem:$0x3FD2] =	sst s25  }
0xa6: {  	s5 =	sshll.u32 s26, $0x1;
	_ =	strace $0x80000046;
	[dreg:$0x1] =	wrdreg $0xFFFFFFFF  }
0xa7: {  	s28 =	simm.s32 $_size_execute0_lowered;
	s3 =	sadd.s32 s3, s5;
	[dreg:$0x0] =	wrdreg $0x0  }
0xa8: {  	s5 =	sshll.u32 s28, $0x1;
	[dreg:$0x2] =	wrdreg s3  }
0xa9: {  	[dreg:$0x3] =	wrdreg s5  }
0xaa: {  	[dreg:$0x4] =	wrdreg $0xC0  }
0xab: {  	_ =	task [dreg:s7], $0x5FFFF  }
0xac: {  	[dreg:$0x1] =	wrdreg $0xFFFFFFFF  }
0xad: {  	[dreg:$0x0] =	wrdreg $0x60  }
0xae: {  	[dreg:$0x2] =	wrdreg s24  }
0xaf: {  	[dreg:$0x3] =	wrdreg s2  }
0xb0: {  	[dreg:$0x4] =	wrdreg $0x47800  }
0xb1: {  	[dreg:$0x5] =	wrdreg $0x9  }
0xb2: {  	_ =	task.clear_ibuf [dreg:s7], $0x6FFFF;
	_ =	strace $0x90000046  }
0xb3: {  	s29 =	simm.s32 $0x9;
	_ =	strace $0x80000048  }
0xb4: {  	_ =	swait.ge [sflag:s29], $0x1  }
0xb5: {  	[sflag:s29] =	ssyncadd.s32 $0xFFFFFFFF  }
0xb6: {  	_ =	strace $0x90000048  }
0xb7: {  	_ =	sfence  }
0xb8: {  	s30 =	sld [smem:$0x0];
	_ =	sdelay $0x2  }
0xb9: {  	s31 =	sshll.u32 s1, $0xD;
	s1 =	sshrl.u32 s1, $0x2  }
0xba: {  	s3 =	sand.u32 $0x4000, s31;
	s1 =	sadd.s32 s1, s30  }
0xbb: {  	s0 =	sor.u32 s3, s0;
	s1 =	sshll.u32 s1, $0x11  }
0xbc: {  	s0 =	sor.u32 s1, s0  }
0xbd: {  	s0 =	sadd.s32 $0x8F2B, s0  }
0xbe: {  	[sflag:s0] =	ssyncadd.remote.s32 $0x1  }
0xbf: {  	_ =	sfence.sel $0xFFFF  }
0xc0: {  	[dreg:$0x0] =	wrdreg $0xFFFFFFFF;
	(pc) =	sbr.abs _section_cstart, $3  }
0xc1: {  	[dreg:$0x1] =	wrdreg $0xFFFFFFFF  }
0xc2: {  	_ =	task.clear_ibuf [dreg:s7], $0x2FFFF;
	_ =	strace $0x9FFFFFFF  }
0xc3: {  	(tm) =	ssettm $0x7FFFFFFF  }
tec
execute0_lowered:
.L_overlay_start_1:
0x0: {  	(tag) =	ssettag $0x1  }
0x1: {  	s5 =	rddreg [dreg:$0x0]  }
0x2: {  	s0 =	srdreg.scid;
	s6 =	rddreg [dreg:$0x1]  }
0x3: {  	s2 =	rddreg [dreg:$0x2];
	s3 =	simm.s32 $0x0;
	s13 =	simm.s32 $0x80  }
0x4: {  	s14 =	simm.s32 $0x0;
	s4 =	sand.u32 $0x1, s0;
	s0 =	stileid.u32  }
0x5: {  	[smem:$0x7FF] =	sst s3;
	s1 =	sshll.u32 s4, $0x4;
	s8 =	smul.u32 $0xA000, s0  }
0x6: {  	s9 =	smul.u32 $0xA0000, s4;
	s10 =	ssub.s32 $0x2, s4;
	s4 =	sadd.s32 $0xC600, s5  }
0x7: {  	s31 =	sshll.u32 s0, $0x6;
	s1 =	sor.u32 s0, s1;
	s11 =	sshrl.u32 s10, $0x1  }
0x8: {  	s7 =	smul.u32 $0x4F0, s1;
	s1 =	rddreg [dreg:$0x3];
	_ =	strace $0x80000047  }
0x9: {  	s9 =	sadd.s32 s8, s9;
	s10 =	ssub.s32 s10, s11;
	s30 =	sshrl.u32 s8, $0x3  }
0xa: {  	s12 =	sadd.s32 s8, s2;
	s11 =	sor.u32 $0x1C01, s31;
	s9 =	sshrl.u32 s9, $0x3  }
0xb: {  	s6 =	sadd.s32 s6, s30;
	s8 =	smax.u32 s10, $0x1;
	s10 =	simm.s32 $0x2780  }
0xc: {  	s12 =	sshrl.u32 s12, $0x3;
	s7 =	sadd.s32 s7, s5;
	s9 =	sadd.s32 s9, s5  }
0xd: {  	s5 =	sadd.s32 $0x2800, s7;
	s7 =	sadd.s32 $0xCA00, s9;
	s9 =	simm.s32 $0x1  }
.LBB2_1:
0xe: {  	[tilespmem:s3], [sflag:$0x1] =	stream.linear.gather [hbm4b:s5+s3], $0x2780, $0x38;
	[tilespmem:$0xE780] =	vst v63  }
0xf: {  	_ =	swait.ge [sflag:s9], $0x2780  }
0x10: {  	[sflag:s9] =	ssyncset.done $0x0  }
0x11: {  	[sflag:s9] =	ssyncadd.s32 $0xFFFFD880  }
0x12: {  	[tilespmem:s10], [sflag:$0x1] =	stream.linear.gather [hbm4b:s4+s3], $0x2000, $0x38;
	[tilespmem:$0xE780] =	vst v63  }
0x13: {  	_ =	swait.ge [sflag:s9], $0x2000  }
0x14: {  	[sflag:s9] =	ssyncset.done $0x0  }
0x15: {  	[sflag:s9] =	ssyncadd.s32 $0xFFFFE000  }
0x16: {  	[spmem:s12], [sflag:s11] =	dma.local [hbm:s6], $0x1400  }
0x17: {  	_ =	swait.ge [sflag:s9], $0x1400  }
0x18: {  	[sflag:s9] =	ssyncset.done $0x0  }
0x19: {  	[sflag:s9] =	ssyncadd.s32 $0xFFFFEC00  }
0x1a: {  	s15 =	simm.s32 $0x0;
	[bflag:$0x0] =	sbarrier.arrive $0xFFFF  }
0x1b: {  	[spmem:s2] =	stream.indirect.scatter.add.f32 [tilespmem:s10], [sflag:$0x1], $0x40, s15, s13, $0xb8;
	[tilespmem:$0xE780] =	vst v63  }
0x1c: {  	_ =	swait.ge [sflag:s9], $0x2000  }
0x1d: {  	s15 =	simm.s32 $0x200;
	[sflag:s9] =	ssyncset.done $0x0  }
.LBB2_2:
0x1e: {  	s16 =	sshra.s32 s15, $0x2;
	[sflag:s9] =	ssyncadd.s32 $0xFFFFE000;
	p0 =	sne.s32 s15, $0x9C00  }
0x1f: {  	[spmem:s2] =	stream.indirect.scatter.add.f32 [tilespmem:s10], [sflag:$0x1], $0x40, s16, s13, $0xb8;
	[tilespmem:$0xE780] =	vst v63  }
.Ltmp0:
0x20: {  	_ = 	snop;
	(pc) =	sbr.rel @p0 .LBB2_2-.Ltmp0, $4  }
0x21: {  	_ = 	snop  }
0x22: {  	s15 =	sadd.s32 $0x200, s15  }
0x23: {  	_ =	swait.ge [sflag:s9], $0x2000  }
0x24: {  	[sflag:s9] =	ssyncset.done $0x0  }
0x25: {  	s14 =	sadd.s32 $0x1, s14  }
0x26: {  	[sflag:s9] =	ssyncadd.s32 $0xFFFFE000;
	p0 =	sne.s32 s14, s8  }
.Ltmp1:
0x27: {  	[bflag:$0x0] =	sbarrier.arrive $0xFFFF;
	(pc) =	sbr.rel @p0 .LBB2_1-.Ltmp1, $4  }
0x28: {  	[hbm:s7], [sflag:s11] =	dma.local [spmem:s12], $0x1400  }
0x29: {  	_ =	swait.ge [sflag:s9], $0x1400  }
0x2a: {  	[sflag:s9] =	ssyncset.done $0x0  }
0x2b: {  	[sflag:s9] =	ssyncadd.s32 $0xFFFFEC00  }
0x2c: {  	_ =	sfence.sel $0x180000  }
0x2d: {  	[bflag:$0x0] =	sbarrier.arrive $0xFFFF  }
0x2e: {  	p0 =	sne.s32 s0, $0x0;
	_ =	strace $0x90000047  }
0x2f: {  	s0 =	sadd.s32 @!p0 $0x100000, s1;
	[bflag:$0x2] =	sbarrier.arrive $0xFFFF  }
0x30: {  	[sflag:s0] =	ssyncadd.tile.s32 @!p0 $0x1;
	_ =	shalt  }
.Lfunc_end2:
_tile_overlayer_lowered:
.L_overlay_start_2:
0x31: {  	(tag) =	ssettag $0x2  }
0x32: {  	s0 =	rddreg [dreg:$0x0];
	s2 =	stileid.u32  }
0x33: {  	s1 =	rddreg [dreg:$0x1];
	p0 =	sne.s32 s2, $0x0  }
0x34: {  	s3 =	rddreg [dreg:$0x2];
	[bflag:$0x3] =	sbarrier.arrive $0xFFFF;
	s2 =	simm.s32 @!p0 $0x1C01  }
0x35: {  	[timem:s3], [sflag:s2] =	dma.local @!p0 [hbm:s0], s1  }
0x36: {  	s0 =	simm.s32 @!p0 $0x1  }
0x37: {  	_ =	swait.ge @!p0 [sflag:s0], s1  }
0x38: {  	s1 =	ssub.s32 @!p0 $0x0, s1;
	[sflag:s0] =	ssyncset.done @!p0 $0x0  }
0x39: {  	[sflag:s0] =	ssyncadd.s32 @!p0 s1  }
0x3a: {  	[bflag:$0x3] =	sbarrier.arrive $0xFFFF  }
0x3b: {  	_ =	shalt  }

// kernel: kernel.14.cloned.1.call-start
scs
__scs_entry_jumppad:
0x0: {  	(pc) =	sbr.rel $0x88, $3  }
0x1: {  	(tag) =	ssettag $0x0;
	lr =	simm.s32 $0x1  }
0x2: {  	[smem:$0x3F99] =	sst lr;
	_ =	strace $0xD0000000  }
0x3: {  	_ = 	snop  }
0x4: {  	_ = 	snop  }
0x5: {  	_ = 	snop  }
0x6: {  	_ = 	snop  }
0x7: {  	_ = 	snop  }
__scs_overlays_trampoline_lowered:
0x8: {  	[smem:$0x3FA8] =	sst s0  }
0x9: {  	[smem:$0x3FA9] =	sst s1  }
0xa: {  	[smem:$0x3FAA] =	sst s2  }
0xb: {  	[smem:$0x3FAB] =	sst s3  }
0xc: {  	[smem:$0x3FAC] =	sst s4  }
0xd: {  	[smem:$0x3FAD] =	sst s5  }
0xe: {  	[smem:$0x3FAE] =	sst s6  }
0xf: {  	[smem:$0x3FAF] =	sst s7  }
0x10: {  	[smem:$0x3FB0] =	sst s8  }
0x11: {  	[smem:$0x3FB1] =	sst s9;
	s0 =	simm.s32 @!p0 $0x0  }
0x12: {  	s1 =	sld [smem:$0x3F97];
	s0 =	simm.s32 @p0 $0x1  }
0x13: {  	[smem:$0x3FB2] =	sst s0;
	s0 =	simm.s32 @!p1 $0x0  }
0x14: {  	s2 =	sld [smem:$0x3F96];
	s0 =	simm.s32 @p1 $0x1  }
0x15: {  	[smem:$0x3FB3] =	sst s0;
	s0 =	simm.s32 @!p2 $0x0  }
0x16: {  	s3 =	sld [smem:$0x3FDB];
	s0 =	simm.s32 @p2 $0x1  }
0x17: {  	s4 =	simm.s32 $0x1BF5;
	[smem:$0x3FB5] =	sst s0  }
0x18: {  	s0 =	sld [smem:$0x3F98];
	_ =	swait.ge [sflag:s4], $0x0  }
0x19: {  	s7 =	sld [smem:$0x3F99]  }
0x1a: {  	s8 =	sadd.s32 $0xFFFFE003, lr  }
0x1b: {  	s9 =	sadd.s32 $0xFFFFFEF7, lr;
	s5 =	simm.s32 $0xFFFFFFFF;
	p2 =	slt.u32 s8, $0xFFFFF086  }
0x1c: {  	p1 =	slt.u32 s9, $0xF7A;
	s5 =	simm.s32 @!p2 $0x0  }
0x1d: {  	s5 =	simm.s32 @p1 $0x1;
	p0 =	seq.s32 s7, s2  }
0x1e: {  	s7 =	smul.u32 @!p0 $0xF7A, s2;
	p2 =	seq.s32 @!p0 s5, $0x0  }
0x1f: {  	s9 =	smul.u32 $0xF7A, s1;
	s8 =	simm.s32 @!p0 $0x1BF5;
	p2 =	por !p2, p0  }
0x20: {  	[sflag:s8] =	ssyncset.s32 @!p0 $0xFFFFF086;
	s6 =	sadd.s32 @!p0 s3, s7;
	s7 =	simm.s32 @!p0 $0x108  }
0x21: {  	s3 =	sadd.s32 s3, s9;
	s6 =	sadd.s32 @!p0 $0x88, s6;
	s7 =	simm.s32 @p2 $0x1082  }
0x22: {  	[simem:s7], [sflag:s8] =	dma.local @!p0 [hbm:s6], $0xF7A  }
0x23: {  	s9 =	sor.u32 $0xD0000000, s2;
	s6 =	simm.s32 $0x108;
	_ =	swait.ge @!p0 [sflag:s8], $0x0  }
0x24: {  	s3 =	sadd.s32 $0x88, s3;
	s6 =	simm.s32 @!p1 $0x1082;
	[sflag:s4] =	ssyncset.s32 $0xFFFFF086  }
0x25: {  	[simem:s6], [sflag:s4] =	dma.local [hbm:s3], $0xF7A  }
0x26: {  	[smem:$0x3F99] =	sst s1;
	(tag) =	ssettag s2;
	_ =	strace s9  }
0x27: {  	s1 =	sld [smem:$0x3FA9]  }
0x28: {  	s2 =	sld [smem:$0x3FAA]  }
0x29: {  	s4 =	sld [smem:$0x3FAC]  }
0x2a: {  	p0 =	seq.s32 s5, $0x0;
	s5 =	sld [smem:$0x3FAD]  }
0x2b: {  	s6 =	sld [smem:$0x3FAE]  }
0x2c: {  	s7 =	sld [smem:$0x3FAF]  }
0x2d: {  	s3 =	simm.s32 $0x108;
	s8 =	sld [smem:$0x3FB0]  }
0x2e: {  	s3 =	simm.s32 @!p0 $0x1082;
	s9 =	sld [smem:$0x3FB1]  }
0x2f: {  	lr =	sadd.s32 s0, s3;
	s0 =	sld [smem:$0x3FA8]  }
0x30: {  	s3 =	sld [smem:$0x3FAB]  }
0x31: {  	[smem:$0x3FB4] =	sst s10  }
0x32: {  	s10 =	sld [smem:$0x3FB2];
	_ =	sdelay $0x3  }
0x33: {  	p0 =	seq.s32 s10, $0x1;
	s10 =	sld [smem:$0x3FB4];
	_ =	sdelay $0x3  }
0x34: {  	[smem:$0x3FB4] =	sst s10  }
0x35: {  	s10 =	sld [smem:$0x3FB3];
	_ =	sdelay $0x3  }
0x36: {  	p1 =	seq.s32 s10, $0x1;
	s10 =	sld [smem:$0x3FB4];
	_ =	sdelay $0x3  }
0x37: {  	[smem:$0x3FB4] =	sst s10  }
0x38: {  	s10 =	sld [smem:$0x3FB5]  }
0x39: {  	_ = 	snop;
	(pc) =	sbr.ind lr, $3  }
0x3a: {  	_ = 	snop  }
0x3b: {  	_ = 	snop  }
0x3c: {  	p2 =	seq.s32 s10, $0x1;
	s10 =	sld [smem:$0x3FB4]  }
0x3d: {  	_ =	shalt  }
0x3e: {  	_ =	shalt  }
0x3f: {  	_ =	shalt  }
0x40: {  	_ =	shalt  }
0x41: {  	_ =	shalt  }
0x42: {  	_ =	shalt  }
0x43: {  	_ =	shalt  }
0x44: {  	_ =	shalt  }
0x45: {  	_ =	shalt  }
0x46: {  	_ =	shalt  }
0x47: {  	_ =	shalt  }
0x48: {  	_ =	shalt  }
0x49: {  	_ =	shalt  }
0x4a: {  	_ =	shalt  }
0x4b: {  	_ =	shalt  }
0x4c: {  	_ =	shalt  }
0x4d: {  	_ =	shalt  }
0x4e: {  	_ =	shalt  }
0x4f: {  	_ =	shalt  }
0x50: {  	_ =	shalt  }
0x51: {  	_ =	shalt  }
0x52: {  	_ =	shalt  }
0x53: {  	_ =	shalt  }
0x54: {  	_ =	shalt  }
0x55: {  	_ =	shalt  }
0x56: {  	_ =	shalt  }
0x57: {  	_ =	shalt  }
0x58: {  	_ =	shalt  }
0x59: {  	_ =	shalt  }
0x5a: {  	_ =	shalt  }
0x5b: {  	_ =	shalt  }
0x5c: {  	_ =	shalt  }
0x5d: {  	_ =	shalt  }
0x5e: {  	_ =	shalt  }
0x5f: {  	_ =	shalt  }
0x60: {  	_ =	shalt  }
0x61: {  	_ =	shalt  }
0x62: {  	_ =	shalt  }
0x63: {  	_ =	shalt  }
0x64: {  	_ =	shalt  }
0x65: {  	_ =	shalt  }
0x66: {  	_ =	shalt  }
0x67: {  	_ =	shalt  }
0x68: {  	_ =	shalt  }
0x69: {  	_ =	shalt  }
0x6a: {  	_ =	shalt  }
0x6b: {  	_ =	shalt  }
0x6c: {  	_ =	shalt  }
0x6d: {  	_ =	shalt  }
0x6e: {  	_ =	shalt  }
0x6f: {  	_ =	shalt  }
0x70: {  	_ =	shalt  }
0x71: {  	_ =	shalt  }
0x72: {  	_ =	shalt  }
0x73: {  	_ =	shalt  }
0x74: {  	_ =	shalt  }
0x75: {  	_ =	shalt  }
0x76: {  	_ =	shalt  }
0x77: {  	_ =	shalt  }
0x78: {  	_ =	shalt  }
0x79: {  	_ =	shalt  }
0x7a: {  	_ =	shalt  }
0x7b: {  	_ =	shalt  }
0x7c: {  	_ =	shalt  }
0x7d: {  	_ =	shalt  }
0x7e: {  	_ =	shalt  }
0x7f: {  	_ =	shalt  }
0x80: {  	_ =	shalt  }
0x81: {  	_ =	shalt  }
0x82: {  	_ =	shalt  }
0x83: {  	_ =	shalt  }
0x84: {  	_ =	shalt  }
0x85: {  	_ =	shalt  }
0x86: {  	_ =	shalt  }
0x87: {  	_ =	shalt  }
.Lfunc_end0:
.L_simem_size_0:
called_computation.1_lowered:
.L_overlay_start_0:
0x88: {  	s2 =	sld [smem:$0x3FD9]  }
0x89: {  	s3 =	sld [smem:$0x3FFE];
	_ =	sdelay $0x1  }
0x8a: {  	s1 =	srdreg.scid  }
0x8b: {  	s0 =	sand.u32 $0x1, s1  }
0x8c: {  	s17 =	sshll.u32 s0, $0xA;
	s2 =	sadd.s32 s3, s2  }
0x8d: {  	s2 =	sadd.s32 s2, s17  }
0x8e: {  	[smem:$0x3FC0] =	sst s2  }
0x8f: {  	_ = 	snop  }
0x90: {  	s2 =	sld [smem:$0x3FD0];
	(tm) =	ssettm $0x1  }
0x91: {  	s18 =	sld [smem:$0x3FFB];
	_ =	sdelay $0x3  }
0x92: {  	_ =	strace s18  }
0x93: {  	s3 =	sld [smem:$0x3FFC];
	_ =	sdelay $0x3  }
0x94: {  	_ =	strace s3  }
0x95: {  	s3 =	sld [smem:$0x3FFD];
	_ =	sdelay $0x3  }
0x96: {  	_ =	strace s3  }
0x97: {  	_ =	strace $0x8FFFFFFF  }
0x98: {  	s19 =	sld [smem:$0x3FDB];
	_ =	sdelay $0x1  }
0x99: {  	s4 =	simm.s32 $_scs_section_size  }
0x9a: {  	s5 =	simm.s32 $_size__tile_overlayer_lowered;
	s6 =	simm.s32 $_tile_overlayer_lowered  }
0x9b: {  	s22 =	simm.s32 $0x1BFF;
	s21 =	sshll.u32 s6, $0x1;
	s3 =	sadd.s32 s4, s19  }
0x9c: {  	s7 =	simm.s32 $0x0;
	s20 =	sshll.u32 s5, $0x1;
	s5 =	sadd.s32 s21, s3  }
0x9d: {  	[timem:s7], [sflag:s22] =	dma.local [hbm:s5], s20  }
0x9e: {  	_ =	swait.ge [sflag:s22], s20  }
0x9f: {  	s4 =	ssub.s32 $0x0, s20;
	[sflag:s22] =	ssyncset.done $0x0  }
0xa0: {  	[sflag:s22] =	ssyncadd.s32 s4;
	_ =	sdelay $0x1  }
0xa1: {  	s23 =	simm.s32 $0x1B8B  }
0xa2: {  	_ =	swait.ge [sflag:s23], $0x1  }
0xa3: {  	[sflag:s23] =	ssyncset.done $0x0  }
0xa4: {  	s25 =	simm.s32 $0x1B8E;
	s24 =	sld [smem:$0x3FFE];
	[sflag:s23] =	ssyncadd.s32 $0xFFFFFFFF  }
0xa5: {  	s26 =	simm.s32 $execute0_lowered;
	[smem:$0x3FD2] =	sst s25  }
0xa6: {  	s5 =	sshll.u32 s26, $0x1;
	_ =	strace $0x80000049;
	[dreg:$0x1] =	wrdreg $0xFFFFFFFF  }
0xa7: {  	s28 =	simm.s32 $_size_execute0_lowered;
	s3 =	sadd.s32 s3, s5;
	[dreg:$0x0] =	wrdreg $0x0  }
0xa8: {  	s5 =	sshll.u32 s28, $0x1;
	[dreg:$0x2] =	wrdreg s3  }
0xa9: {  	[dreg:$0x3] =	wrdreg s5  }
0xaa: {  	[dreg:$0x4] =	wrdreg $0xC0  }
0xab: {  	_ =	task [dreg:s7], $0x5FFFF  }
0xac: {  	[dreg:$0x1] =	wrdreg $0xFFFFFFFF  }
0xad: {  	[dreg:$0x0] =	wrdreg $0x60  }
0xae: {  	[dreg:$0x2] =	wrdreg s2  }
0xaf: {  	[dreg:$0x3] =	wrdreg s24  }
0xb0: {  	[dreg:$0x4] =	wrdreg $0xBE000  }
0xb1: {  	[dreg:$0x5] =	wrdreg $0x9  }
0xb2: {  	_ =	task.clear_ibuf [dreg:s7], $0x6FFFF;
	_ =	strace $0x90000049  }
0xb3: {  	s29 =	simm.s32 $0x9;
	_ =	strace $0x8000004B  }
0xb4: {  	_ =	swait.ge [sflag:s29], $0x1  }
0xb5: {  	[sflag:s29] =	ssyncadd.s32 $0xFFFFFFFF  }
0xb6: {  	_ =	strace $0x9000004B  }
0xb7: {  	_ =	sfence  }
0xb8: {  	s30 =	sld [smem:$0x0];
	_ =	sdelay $0x2  }
0xb9: {  	s31 =	sshll.u32 s1, $0xD;
	s1 =	sshrl.u32 s1, $0x2  }
0xba: {  	s3 =	sand.u32 $0x4000, s31;
	s1 =	sadd.s32 s1, s30  }
0xbb: {  	s0 =	sor.u32 s3, s0;
	s1 =	sshll.u32 s1, $0x11  }
0xbc: {  	s0 =	sor.u32 s1, s0  }
0xbd: {  	s0 =	sadd.s32 $0x8F2B, s0  }
0xbe: {  	[sflag:s0] =	ssyncadd.remote.s32 $0x1  }
0xbf: {  	_ =	sfence.sel $0xFFFF  }
0xc0: {  	[dreg:$0x0] =	wrdreg $0xFFFFFFFF;
	(pc) =	sbr.abs _section_cstart, $3  }
0xc1: {  	[dreg:$0x1] =	wrdreg $0xFFFFFFFF  }
0xc2: {  	_ =	task.clear_ibuf [dreg:s7], $0x2FFFF;
	_ =	strace $0x9FFFFFFF  }
0xc3: {  	(tm) =	ssettm $0x7FFFFFFF  }
tec
execute0_lowered:
.L_overlay_start_1:
0x0: {  	(tag) =	ssettag $0x1  }
0x1: {  	s7 =	rddreg [dreg:$0x0]  }
0x2: {  	s4 =	rddreg [dreg:$0x1]  }
0x3: {  	s2 =	rddreg [dreg:$0x2]  }
0x4: {  	s0 =	rddreg [dreg:$0x3];
	s1 =	stileid.u32  }
0x5: {  	s6 =	srdreg.scid;
	s3 =	simm.s32 $0x0;
	s14 =	simm.s32 $0x80  }
0x6: {  	s15 =	simm.s32 $0x9E00;
	s16 =	simm.s32 $0xAE00;
	s17 =	simm.s32 $0x1  }
0x7: {  	s18 =	simm.s32 $0x2;
	s19 =	simm.s32 $0x9D00;
	s5 =	smul.u32 $0x9E0, s1  }
0x8: {  	s20 =	simm.s32 $0x9D80;
	s21 =	simm.s32 $0x0;
	s8 =	smul.u32 $0xA000, s1  }
0x9: {  	s6 =	sand.u32 $0x1, s6;
	[smem:$0x7FF] =	sst s3;
	s31 =	sshll.u32 s1, $0x6  }
0xa: {  	s9 =	smul.u32 $0xA0000, s6;
	_ =	strace $0x8000004A;
	s6 =	ssub.s32 $0x2, s6  }
0xb: {  	s5 =	sadd.s32 s5, s4;
	s10 =	sshrl.u32 s8, $0x4;
	s12 =	sshrl.u32 s6, $0x1  }
0xc: {  	s29 =	sshrl.u32 s8, $0x1;
	s11 =	sadd.s32 s8, s9;
	s10 =	sadd.s32 s10, s4  }
0xd: {  	s12 =	ssub.s32 s6, s12;
	s30 =	sshrl.u32 s9, $0x4;
	s13 =	sadd.s32 s29, s2  }
0xe: {  	s11 =	sshrl.u32 s11, $0x4;
	s6 =	sadd.s32 $0x34A00, s10;
	s7 =	sadd.s32 s7, s30  }
0xf: {  	s9 =	smax.u32 s12, $0x1;
	s10 =	simm.s32 $0x3;
	s12 =	sor.u32 $0x1C03, s31  }
0x10: {  	s13 =	sshrl.u32 s13, $0x3;
	s11 =	sadd.s32 s11, s4;
	s4 =	sadd.s32 $0x3EA00, s5  }
0x11: {  	s5 =	sadd.s32 $0x2800, s5;
	s8 =	sadd.s32 $0x98800, s11;
	s11 =	simm.s32 $0x4F00  }
.LBB2_1:
0x12: {  	[tilespmem:s3], [sflag:$0x3] =	stream.linear.gather [hbm4b:s4+s3], $0x4F00, $0x38;
	[tilespmem:$0x10E00] =	vst v63  }
0x13: {  	_ =	swait.ge [sflag:s10], $0x4F00  }
0x14: {  	[sflag:s10] =	ssyncset.done $0x0  }
0x15: {  	[sflag:s10] =	ssyncadd.s32 $0xFFFFB100  }
0x16: {  	[tilespmem:s11], [sflag:$0x3] =	stream.linear.gather [hbm4b:s5+s3], $0x4F00, $0x38;
	[tilespmem:$0x10E00] =	vst v63  }
0x17: {  	_ =	swait.ge [sflag:s10], $0x4F00  }
0x18: {  	[sflag:s10] =	ssyncset.done $0x0  }
0x19: {  	[sflag:s10] =	ssyncadd.s32 $0xFFFFB100  }
0x1a: {  	[spmem:s13], [sflag:s12] =	dma.local [hbm:s6], $0xA00  }
0x1b: {  	_ =	swait.ge [sflag:s10], $0xA00  }
0x1c: {  	[sflag:s10] =	ssyncset.done $0x0  }
0x1d: {  	[sflag:s10] =	ssyncadd.s32 $0xFFFFF600  }
0x1e: {  	[bflag:$0x0] =	sbarrier.arrive $0xFFFF  }
0x1f: {  	[tilespmem:s15], [sflag:$0x1] =	stream.indirect.gather [hbm4b:s7+s14], $0x20, s3, s14, $0xb8;
	[tilespmem:$0x10E00] =	vst v63  }
0x20: {  	_ = 	snop  }
0x21: {  	[tilespmem:s16], [sflag:$0x2] =	stream.indirect.gather [hbm4b:s7+s14], $0x20, s14, s14, $0xb8;
	[tilespmem:$0x10E00] =	vst v63  }
0x22: {  	_ =	swait.ge [sflag:s17], $0x1000  }
0x23: {  	[sflag:s17] =	ssyncset.done $0x0  }
0x24: {  	s22 =	simm.s32 $0x4F00;
	[sflag:s17] =	ssyncadd.s32 $0xFFFFF000  }
0x25: {  	[spmem:s2] =	stream.indirect.scatter.add.bf16 [tilespmem:s15], [sflag:$0x3], $0x20, s22, s14, $0xb8;
	[tilespmem:$0x10E00] =	vst v63  }
0x26: {  	_ =	swait.ge [sflag:s10], $0x1000  }
0x27: {  	[sflag:s10] =	ssyncset.done $0x0  }
0x28: {  	s30 =	simm.s32 $0x100;
	[sflag:s10] =	ssyncadd.s32 $0xFFFFF000  }
0x29: {  	[tilespmem:s15], [sflag:$0x1] =	stream.indirect.gather [hbm4b:s7+s14], $0x20, s30, s14, $0xb8;
	[tilespmem:$0x10E00] =	vst v63  }
0x2a: {  	_ =	swait.ge [sflag:s18], $0x1000  }
0x2b: {  	[sflag:s18] =	ssyncset.done $0x0  }
0x2c: {  	s31 =	simm.s32 $0x4F80;
	[sflag:s18] =	ssyncadd.s32 $0xFFFFF000  }
0x2d: {  	[spmem:s2] =	stream.indirect.scatter.add.bf16 [tilespmem:s16], [sflag:$0x3], $0x20, s31, s14, $0xb8;
	[tilespmem:$0x10E00] =	vst v63  }
0x2e: {  	_ =	swait.ge [sflag:s10], $0x1000  }
0x2f: {  	[sflag:s10] =	ssyncset.done $0x0  }
0x30: {  	s23 =	simm.s32 $0x180;
	s22 =	simm.s32 $0x400;
	[sflag:s10] =	ssyncadd.s32 $0xFFFFF000  }
.LBB2_2:
0x31: {  	[tilespmem:s16], [sflag:$0x2] =	stream.indirect.gather [hbm4b:s7+s14], $0x20, s23, s14, $0xb8;
	[tilespmem:$0x10E00] =	vst v63  }
0x32: {  	s23 =	smov.u32 s22  }
0x33: {  	p0 =	sne.s32 s22, $0x13400;
	s22 =	sadd.s32 $0x400, s22;
	_ =	swait.ge [sflag:s17], $0x1000  }
0x34: {  	s23 =	sshra.s32 s23, $0x2;
	[sflag:s17] =	ssyncset.done $0x0  }
0x35: {  	s24 =	sadd.s32 $0x4F00, s23;
	[sflag:s17] =	ssyncadd.s32 $0xFFFFF000  }
0x36: {  	[spmem:s2] =	stream.indirect.scatter.add.bf16 [tilespmem:s15], [sflag:$0x3], $0x20, s24, s14, $0xb8;
	[tilespmem:$0x10E00] =	vst v63  }
0x37: {  	_ =	swait.ge [sflag:s10], $0x1000  }
0x38: {  	[sflag:s10] =	ssyncset.done $0x0  }
0x39: {  	s24 =	sadd.s32 $0x100, s23;
	[sflag:s10] =	ssyncadd.s32 $0xFFFFF000  }
0x3a: {  	[tilespmem:s15], [sflag:$0x1] =	stream.indirect.gather [hbm4b:s7+s14], $0x20, s24, s14, $0xb8;
	[tilespmem:$0x10E00] =	vst v63  }
0x3b: {  	_ =	swait.ge [sflag:s18], $0x1000  }
0x3c: {  	[sflag:s18] =	ssyncset.done $0x0  }
.Ltmp0:
0x3d: {  	s24 =	sadd.s32 $0x4F80, s23;
	[sflag:s18] =	ssyncadd.s32 $0xFFFFF000;
	(pc) =	sbr.rel @p0 .LBB2_2-.Ltmp0, $4  }
0x3e: {  	[spmem:s2] =	stream.indirect.scatter.add.bf16 [tilespmem:s16], [sflag:$0x3], $0x20, s24, s14, $0xb8;
	[tilespmem:$0x10E00] =	vst v63  }
0x3f: {  	_ =	swait.ge [sflag:s10], $0x1000  }
0x40: {  	[sflag:s10] =	ssyncset.done $0x0  }
0x41: {  	s23 =	sadd.s32 $0x180, s23;
	[sflag:s10] =	ssyncadd.s32 $0xFFFFF000  }
0x42: {  	[tilespmem:s16], [sflag:$0x2] =	stream.indirect.gather [hbm4b:s7+s14], $0x20, s23, s14, $0xb8;
	[tilespmem:$0x10E00] =	vst v63  }
0x43: {  	_ =	swait.ge [sflag:s17], $0x1000  }
0x44: {  	[sflag:s17] =	ssyncset.done $0x0  }
0x45: {  	[sflag:s17] =	ssyncadd.s32 $0xFFFFF000  }
0x46: {  	[spmem:s2] =	stream.indirect.scatter.add.bf16 [tilespmem:s15], [sflag:$0x3], $0x20, s19, s14, $0xb8;
	[tilespmem:$0x10E00] =	vst v63  }
0x47: {  	_ =	swait.ge [sflag:s10], $0x1000  }
0x48: {  	[sflag:s10] =	ssyncset.done $0x0  }
0x49: {  	[sflag:s10] =	ssyncadd.s32 $0xFFFFF000  }
0x4a: {  	_ =	swait.ge [sflag:s18], $0x1000  }
0x4b: {  	[sflag:s18] =	ssyncset.done $0x0  }
0x4c: {  	[sflag:s18] =	ssyncadd.s32 $0xFFFFF000  }
0x4d: {  	[spmem:s2] =	stream.indirect.scatter.add.bf16 [tilespmem:s16], [sflag:$0x3], $0x20, s20, s14, $0xb8;
	[tilespmem:$0x10E00] =	vst v63  }
0x4e: {  	_ =	swait.ge [sflag:s10], $0x1000  }
0x4f: {  	s21 =	sadd.s32 $0x1, s21;
	[sflag:s10] =	ssyncset.done $0x0  }
0x50: {  	p0 =	sne.s32 s21, s9;
	[sflag:s10] =	ssyncadd.s32 $0xFFFFF000  }
.Ltmp1:
0x51: {  	[bflag:$0x0] =	sbarrier.arrive $0xFFFF;
	(pc) =	sbr.rel @p0 .LBB2_1-.Ltmp1, $4  }
0x52: {  	[hbm:s8], [sflag:s12] =	dma.local [spmem:s13], $0xA00  }
0x53: {  	_ =	swait.ge [sflag:s10], $0xA00  }
0x54: {  	[sflag:s10] =	ssyncset.done $0x0  }
0x55: {  	[sflag:s10] =	ssyncadd.s32 $0xFFFFF600  }
0x56: {  	_ =	sfence.sel $0x180000  }
0x57: {  	[bflag:$0x0] =	sbarrier.arrive $0xFFFF  }
0x58: {  	p0 =	sne.s32 s1, $0x0;
	_ =	strace $0x9000004A  }
0x59: {  	s0 =	sadd.s32 @!p0 $0x100000, s0;
	[bflag:$0x2] =	sbarrier.arrive $0xFFFF  }
0x5a: {  	[sflag:s0] =	ssyncadd.tile.s32 @!p0 $0x1;
	_ =	shalt  }
.Lfunc_end2:
_tile_overlayer_lowered:
.L_overlay_start_2:
0x5b: {  	(tag) =	ssettag $0x2  }
0x5c: {  	s0 =	rddreg [dreg:$0x0];
	s2 =	stileid.u32  }
0x5d: {  	s1 =	rddreg [dreg:$0x1];
	p0 =	sne.s32 s2, $0x0  }
0x5e: {  	s3 =	rddreg [dreg:$0x2];
	[bflag:$0x3] =	sbarrier.arrive $0xFFFF;
	s2 =	simm.s32 @!p0 $0x1C03  }
0x5f: {  	[timem:s3], [sflag:s2] =	dma.local @!p0 [hbm:s0], s1  }
0x60: {  	s0 =	simm.s32 @!p0 $0x3  }
0x61: {  	_ =	swait.ge @!p0 [sflag:s0], s1  }
0x62: {  	s1 =	ssub.s32 @!p0 $0x0, s1;
	[sflag:s0] =	ssyncset.done @!p0 $0x0  }
0x63: {  	[sflag:s0] =	ssyncadd.s32 @!p0 s1  }
0x64: {  	[bflag:$0x3] =	sbarrier.arrive $0xFFFF  }
0x65: {  	_ =	shalt  }

// kernel: kernel.17.cloned.1.call-start
scs
__scs_entry_jumppad:
0x0: {  	(pc) =	sbr.rel $0x88, $3  }
0x1: {  	(tag) =	ssettag $0x0;
	lr =	simm.s32 $0x1  }
0x2: {  	[smem:$0x3F99] =	sst lr;
	_ =	strace $0xD0000000  }
0x3: {  	_ = 	snop  }
0x4: {  	_ = 	snop  }
0x5: {  	_ = 	snop  }
0x6: {  	_ = 	snop  }
0x7: {  	_ = 	snop  }
__scs_overlays_trampoline_lowered:
0x8: {  	[smem:$0x3FA8] =	sst s0  }
0x9: {  	[smem:$0x3FA9] =	sst s1  }
0xa: {  	[smem:$0x3FAA] =	sst s2  }
0xb: {  	[smem:$0x3FAB] =	sst s3  }
0xc: {  	[smem:$0x3FAC] =	sst s4  }
0xd: {  	[smem:$0x3FAD] =	sst s5  }
0xe: {  	[smem:$0x3FAE] =	sst s6  }
0xf: {  	[smem:$0x3FAF] =	sst s7  }
0x10: {  	[smem:$0x3FB0] =	sst s8  }
0x11: {  	[smem:$0x3FB1] =	sst s9;
	s0 =	simm.s32 @!p0 $0x0  }
0x12: {  	s1 =	sld [smem:$0x3F97];
	s0 =	simm.s32 @p0 $0x1  }
0x13: {  	[smem:$0x3FB2] =	sst s0;
	s0 =	simm.s32 @!p1 $0x0  }
0x14: {  	s2 =	sld [smem:$0x3F96];
	s0 =	simm.s32 @p1 $0x1  }
0x15: {  	[smem:$0x3FB3] =	sst s0;
	s0 =	simm.s32 @!p2 $0x0  }
0x16: {  	s3 =	sld [smem:$0x3FDB];
	s0 =	simm.s32 @p2 $0x1  }
0x17: {  	s4 =	simm.s32 $0x1BF5;
	[smem:$0x3FB5] =	sst s0  }
0x18: {  	s0 =	sld [smem:$0x3F98];
	_ =	swait.ge [sflag:s4], $0x0  }
0x19: {  	s7 =	sld [smem:$0x3F99]  }
0x1a: {  	s8 =	sadd.s32 $0xFFFFE003, lr  }
0x1b: {  	s9 =	sadd.s32 $0xFFFFFEF7, lr;
	s5 =	simm.s32 $0xFFFFFFFF;
	p2 =	slt.u32 s8, $0xFFFFF086  }
0x1c: {  	p1 =	slt.u32 s9, $0xF7A;
	s5 =	simm.s32 @!p2 $0x0  }
0x1d: {  	s5 =	simm.s32 @p1 $0x1;
	p0 =	seq.s32 s7, s2  }
0x1e: {  	s7 =	smul.u32 @!p0 $0xF7A, s2;
	p2 =	seq.s32 @!p0 s5, $0x0  }
0x1f: {  	s9 =	smul.u32 $0xF7A, s1;
	s8 =	simm.s32 @!p0 $0x1BF5;
	p2 =	por !p2, p0  }
0x20: {  	[sflag:s8] =	ssyncset.s32 @!p0 $0xFFFFF086;
	s6 =	sadd.s32 @!p0 s3, s7;
	s7 =	simm.s32 @!p0 $0x108  }
0x21: {  	s3 =	sadd.s32 s3, s9;
	s6 =	sadd.s32 @!p0 $0x88, s6;
	s7 =	simm.s32 @p2 $0x1082  }
0x22: {  	[simem:s7], [sflag:s8] =	dma.local @!p0 [hbm:s6], $0xF7A  }
0x23: {  	s9 =	sor.u32 $0xD0000000, s2;
	s6 =	simm.s32 $0x108;
	_ =	swait.ge @!p0 [sflag:s8], $0x0  }
0x24: {  	s3 =	sadd.s32 $0x88, s3;
	s6 =	simm.s32 @!p1 $0x1082;
	[sflag:s4] =	ssyncset.s32 $0xFFFFF086  }
0x25: {  	[simem:s6], [sflag:s4] =	dma.local [hbm:s3], $0xF7A  }
0x26: {  	[smem:$0x3F99] =	sst s1;
	(tag) =	ssettag s2;
	_ =	strace s9  }
0x27: {  	s1 =	sld [smem:$0x3FA9]  }
0x28: {  	s2 =	sld [smem:$0x3FAA]  }
0x29: {  	s4 =	sld [smem:$0x3FAC]  }
0x2a: {  	p0 =	seq.s32 s5, $0x0;
	s5 =	sld [smem:$0x3FAD]  }
0x2b: {  	s6 =	sld [smem:$0x3FAE]  }
0x2c: {  	s7 =	sld [smem:$0x3FAF]  }
0x2d: {  	s3 =	simm.s32 $0x108;
	s8 =	sld [smem:$0x3FB0]  }
0x2e: {  	s3 =	simm.s32 @!p0 $0x1082;
	s9 =	sld [smem:$0x3FB1]  }
0x2f: {  	lr =	sadd.s32 s0, s3;
	s0 =	sld [smem:$0x3FA8]  }
0x30: {  	s3 =	sld [smem:$0x3FAB]  }
0x31: {  	[smem:$0x3FB4] =	sst s10  }
0x32: {  	s10 =	sld [smem:$0x3FB2];
	_ =	sdelay $0x3  }
0x33: {  	p0 =	seq.s32 s10, $0x1;
	s10 =	sld [smem:$0x3FB4];
	_ =	sdelay $0x3  }
0x34: {  	[smem:$0x3FB4] =	sst s10  }
0x35: {  	s10 =	sld [smem:$0x3FB3];
	_ =	sdelay $0x3  }
0x36: {  	p1 =	seq.s32 s10, $0x1;
	s10 =	sld [smem:$0x3FB4];
	_ =	sdelay $0x3  }
0x37: {  	[smem:$0x3FB4] =	sst s10  }
0x38: {  	s10 =	sld [smem:$0x3FB5]  }
0x39: {  	_ = 	snop;
	(pc) =	sbr.ind lr, $3  }
0x3a: {  	_ = 	snop  }
0x3b: {  	_ = 	snop  }
0x3c: {  	p2 =	seq.s32 s10, $0x1;
	s10 =	sld [smem:$0x3FB4]  }
0x3d: {  	_ =	shalt  }
0x3e: {  	_ =	shalt  }
0x3f: {  	_ =	shalt  }
0x40: {  	_ =	shalt  }
0x41: {  	_ =	shalt  }
0x42: {  	_ =	shalt  }
0x43: {  	_ =	shalt  }
0x44: {  	_ =	shalt  }
0x45: {  	_ =	shalt  }
0x46: {  	_ =	shalt  }
0x47: {  	_ =	shalt  }
0x48: {  	_ =	shalt  }
0x49: {  	_ =	shalt  }
0x4a: {  	_ =	shalt  }
0x4b: {  	_ =	shalt  }
0x4c: {  	_ =	shalt  }
0x4d: {  	_ =	shalt  }
0x4e: {  	_ =	shalt  }
0x4f: {  	_ =	shalt  }
0x50: {  	_ =	shalt  }
0x51: {  	_ =	shalt  }
0x52: {  	_ =	shalt  }
0x53: {  	_ =	shalt  }
0x54: {  	_ =	shalt  }
0x55: {  	_ =	shalt  }
0x56: {  	_ =	shalt  }
0x57: {  	_ =	shalt  }
0x58: {  	_ =	shalt  }
0x59: {  	_ =	shalt  }
0x5a: {  	_ =	shalt  }
0x5b: {  	_ =	shalt  }
0x5c: {  	_ =	shalt  }
0x5d: {  	_ =	shalt  }
0x5e: {  	_ =	shalt  }
0x5f: {  	_ =	shalt  }
0x60: {  	_ =	shalt  }
0x61: {  	_ =	shalt  }
0x62: {  	_ =	shalt  }
0x63: {  	_ =	shalt  }
0x64: {  	_ =	shalt  }
0x65: {  	_ =	shalt  }
0x66: {  	_ =	shalt  }
0x67: {  	_ =	shalt  }
0x68: {  	_ =	shalt  }
0x69: {  	_ =	shalt  }
0x6a: {  	_ =	shalt  }
0x6b: {  	_ =	shalt  }
0x6c: {  	_ =	shalt  }
0x6d: {  	_ =	shalt  }
0x6e: {  	_ =	shalt  }
0x6f: {  	_ =	shalt  }
0x70: {  	_ =	shalt  }
0x71: {  	_ =	shalt  }
0x72: {  	_ =	shalt  }
0x73: {  	_ =	shalt  }
0x74: {  	_ =	shalt  }
0x75: {  	_ =	shalt  }
0x76: {  	_ =	shalt  }
0x77: {  	_ =	shalt  }
0x78: {  	_ =	shalt  }
0x79: {  	_ =	shalt  }
0x7a: {  	_ =	shalt  }
0x7b: {  	_ =	shalt  }
0x7c: {  	_ =	shalt  }
0x7d: {  	_ =	shalt  }
0x7e: {  	_ =	shalt  }
0x7f: {  	_ =	shalt  }
0x80: {  	_ =	shalt  }
0x81: {  	_ =	shalt  }
0x82: {  	_ =	shalt  }
0x83: {  	_ =	shalt  }
0x84: {  	_ =	shalt  }
0x85: {  	_ =	shalt  }
0x86: {  	_ =	shalt  }
0x87: {  	_ =	shalt  }
.Lfunc_end0:
.L_simem_size_0:
called_computation.2_lowered:
.L_overlay_start_0:
0x88: {  	s2 =	sld [smem:$0x3FD9]  }
0x89: {  	s3 =	sld [smem:$0x3FFE];
	_ =	sdelay $0x1  }
0x8a: {  	s1 =	srdreg.scid  }
0x8b: {  	s0 =	sand.u32 $0x1, s1  }
0x8c: {  	s17 =	sshll.u32 s0, $0xA;
	s2 =	sadd.s32 s3, s2  }
0x8d: {  	s2 =	sadd.s32 s2, s17  }
0x8e: {  	[smem:$0x3FC0] =	sst s2  }
0x8f: {  	_ = 	snop  }
0x90: {  	s2 =	sld [smem:$0x3FD0];
	(tm) =	ssettm $0x1  }
0x91: {  	s18 =	sld [smem:$0x3FFB];
	_ =	sdelay $0x3  }
0x92: {  	_ =	strace s18  }
0x93: {  	s3 =	sld [smem:$0x3FFC];
	_ =	sdelay $0x3  }
0x94: {  	_ =	strace s3  }
0x95: {  	s3 =	sld [smem:$0x3FFD];
	_ =	sdelay $0x3  }
0x96: {  	_ =	strace s3  }
0x97: {  	_ =	strace $0x8FFFFFFF  }
0x98: {  	s19 =	sld [smem:$0x3FDB];
	_ =	sdelay $0x1  }
0x99: {  	s4 =	simm.s32 $_scs_section_size  }
0x9a: {  	s5 =	simm.s32 $_size__tile_overlayer_lowered;
	s6 =	simm.s32 $_tile_overlayer_lowered  }
0x9b: {  	s22 =	simm.s32 $0x1BFF;
	s21 =	sshll.u32 s6, $0x1;
	s3 =	sadd.s32 s4, s19  }
0x9c: {  	s7 =	simm.s32 $0x0;
	s20 =	sshll.u32 s5, $0x1;
	s5 =	sadd.s32 s21, s3  }
0x9d: {  	[timem:s7], [sflag:s22] =	dma.local [hbm:s5], s20  }
0x9e: {  	_ =	swait.ge [sflag:s22], s20  }
0x9f: {  	s4 =	ssub.s32 $0x0, s20;
	[sflag:s22] =	ssyncset.done $0x0  }
0xa0: {  	[sflag:s22] =	ssyncadd.s32 s4;
	_ =	sdelay $0x1  }
0xa1: {  	s23 =	simm.s32 $0x1B8B  }
0xa2: {  	_ =	swait.ge [sflag:s23], $0x1  }
0xa3: {  	[sflag:s23] =	ssyncset.done $0x0  }
0xa4: {  	s25 =	simm.s32 $0x1B8E;
	s24 =	sld [smem:$0x3FFE];
	[sflag:s23] =	ssyncadd.s32 $0xFFFFFFFF  }
0xa5: {  	s26 =	simm.s32 $execute0_lowered;
	[smem:$0x3FD2] =	sst s25  }
0xa6: {  	s5 =	sshll.u32 s26, $0x1;
	_ =	strace $0x8000004C;
	[dreg:$0x1] =	wrdreg $0xFFFFFFFF  }
0xa7: {  	s28 =	simm.s32 $_size_execute0_lowered;
	s3 =	sadd.s32 s3, s5;
	[dreg:$0x0] =	wrdreg $0x0  }
0xa8: {  	s5 =	sshll.u32 s28, $0x1;
	[dreg:$0x2] =	wrdreg s3  }
0xa9: {  	[dreg:$0x3] =	wrdreg s5  }
0xaa: {  	[dreg:$0x4] =	wrdreg $0xC0  }
0xab: {  	_ =	task [dreg:s7], $0x5FFFF  }
0xac: {  	[dreg:$0x1] =	wrdreg $0xFFFFFFFF  }
0xad: {  	[dreg:$0x0] =	wrdreg $0x60  }
0xae: {  	[dreg:$0x2] =	wrdreg s2  }
0xaf: {  	[dreg:$0x3] =	wrdreg s24  }
0xb0: {  	[dreg:$0x4] =	wrdreg $0xBE000  }
0xb1: {  	[dreg:$0x5] =	wrdreg $0x9  }
0xb2: {  	_ =	task.clear_ibuf [dreg:s7], $0x6FFFF;
	_ =	strace $0x9000004C  }
0xb3: {  	s29 =	simm.s32 $0x9;
	_ =	strace $0x8000004E  }
0xb4: {  	_ =	swait.ge [sflag:s29], $0x1  }
0xb5: {  	[sflag:s29] =	ssyncadd.s32 $0xFFFFFFFF  }
0xb6: {  	_ =	strace $0x9000004E  }
0xb7: {  	_ =	sfence  }
0xb8: {  	s30 =	sld [smem:$0x0];
	_ =	sdelay $0x2  }
0xb9: {  	s31 =	sshll.u32 s1, $0xD;
	s1 =	sshrl.u32 s1, $0x2  }
0xba: {  	s3 =	sand.u32 $0x4000, s31;
	s1 =	sadd.s32 s1, s30  }
0xbb: {  	s0 =	sor.u32 s3, s0;
	s1 =	sshll.u32 s1, $0x11  }
0xbc: {  	s0 =	sor.u32 s1, s0  }
0xbd: {  	s0 =	sadd.s32 $0x8F2B, s0  }
0xbe: {  	[sflag:s0] =	ssyncadd.remote.s32 $0x1  }
0xbf: {  	_ =	sfence.sel $0xFFFF  }
0xc0: {  	[dreg:$0x0] =	wrdreg $0xFFFFFFFF;
	(pc) =	sbr.abs _section_cstart, $3  }
0xc1: {  	[dreg:$0x1] =	wrdreg $0xFFFFFFFF  }
0xc2: {  	_ =	task.clear_ibuf [dreg:s7], $0x2FFFF;
	_ =	strace $0x9FFFFFFF  }
0xc3: {  	(tm) =	ssettm $0x7FFFFFFF  }
tec
execute0_lowered:
.L_overlay_start_1:
0x0: {  	(tag) =	ssettag $0x1  }
0x1: {  	s7 =	rddreg [dreg:$0x0]  }
0x2: {  	s4 =	rddreg [dreg:$0x1]  }
0x3: {  	s2 =	rddreg [dreg:$0x2]  }
0x4: {  	s0 =	rddreg [dreg:$0x3];
	s1 =	stileid.u32  }
0x5: {  	s6 =	srdreg.scid;
	s3 =	simm.s32 $0x0;
	s14 =	simm.s32 $0x80  }
0x6: {  	s15 =	simm.s32 $0x9E00;
	s16 =	simm.s32 $0xAE00;
	s17 =	simm.s32 $0x1  }
0x7: {  	s18 =	simm.s32 $0x2;
	s19 =	simm.s32 $0x9D00;
	s5 =	smul.u32 $0x9E0, s1  }
0x8: {  	s20 =	simm.s32 $0x9D80;
	s21 =	simm.s32 $0x0;
	s8 =	smul.u32 $0xA000, s1  }
0x9: {  	s6 =	sand.u32 $0x1, s6;
	[smem:$0x7FF] =	sst s3;
	s31 =	sshll.u32 s1, $0x6  }
0xa: {  	s9 =	smul.u32 $0xA0000, s6;
	_ =	strace $0x8000004D;
	s6 =	ssub.s32 $0x2, s6  }
0xb: {  	s5 =	sadd.s32 s5, s4;
	s10 =	sshrl.u32 s8, $0x4;
	s12 =	sshrl.u32 s6, $0x1  }
0xc: {  	s29 =	sshrl.u32 s8, $0x1;
	s11 =	sadd.s32 s8, s9;
	s10 =	sadd.s32 s10, s4  }
0xd: {  	s12 =	ssub.s32 s6, s12;
	s30 =	sshrl.u32 s9, $0x4;
	s13 =	sadd.s32 s29, s2  }
0xe: {  	s11 =	sshrl.u32 s11, $0x4;
	s6 =	sadd.s32 $0x34A00, s10;
	s7 =	sadd.s32 s7, s30  }
0xf: {  	s9 =	smax.u32 s12, $0x1;
	s10 =	simm.s32 $0x3;
	s12 =	sor.u32 $0x1C03, s31  }
0x10: {  	s13 =	sshrl.u32 s13, $0x3;
	s11 =	sadd.s32 s11, s4;
	s4 =	sadd.s32 $0x3EA00, s5  }
0x11: {  	s5 =	sadd.s32 $0x2800, s5;
	s8 =	sadd.s32 $0xC600, s11;
	s11 =	simm.s32 $0x4F00  }
.LBB2_1:
0x12: {  	[tilespmem:s3], [sflag:$0x3] =	stream.linear.gather [hbm4b:s4+s3], $0x4F00, $0x38;
	[tilespmem:$0x10E00] =	vst v63  }
0x13: {  	_ =	swait.ge [sflag:s10], $0x4F00  }
0x14: {  	[sflag:s10] =	ssyncset.done $0x0  }
0x15: {  	[sflag:s10] =	ssyncadd.s32 $0xFFFFB100  }
0x16: {  	[tilespmem:s11], [sflag:$0x3] =	stream.linear.gather [hbm4b:s5+s3], $0x4F00, $0x38;
	[tilespmem:$0x10E00] =	vst v63  }
0x17: {  	_ =	swait.ge [sflag:s10], $0x4F00  }
0x18: {  	[sflag:s10] =	ssyncset.done $0x0  }
0x19: {  	[sflag:s10] =	ssyncadd.s32 $0xFFFFB100  }
0x1a: {  	[spmem:s13], [sflag:s12] =	dma.local [hbm:s6], $0xA00  }
0x1b: {  	_ =	swait.ge [sflag:s10], $0xA00  }
0x1c: {  	[sflag:s10] =	ssyncset.done $0x0  }
0x1d: {  	[sflag:s10] =	ssyncadd.s32 $0xFFFFF600  }
0x1e: {  	[bflag:$0x0] =	sbarrier.arrive $0xFFFF  }
0x1f: {  	[tilespmem:s15], [sflag:$0x1] =	stream.indirect.gather [hbm4b:s7+s14], $0x20, s3, s14, $0xb8;
	[tilespmem:$0x10E00] =	vst v63  }
0x20: {  	_ = 	snop  }
0x21: {  	[tilespmem:s16], [sflag:$0x2] =	stream.indirect.gather [hbm4b:s7+s14], $0x20, s14, s14, $0xb8;
	[tilespmem:$0x10E00] =	vst v63  }
0x22: {  	_ =	swait.ge [sflag:s17], $0x1000  }
0x23: {  	[sflag:s17] =	ssyncset.done $0x0  }
0x24: {  	s22 =	simm.s32 $0x4F00;
	[sflag:s17] =	ssyncadd.s32 $0xFFFFF000  }
0x25: {  	[spmem:s2] =	stream.indirect.scatter.add.bf16 [tilespmem:s15], [sflag:$0x3], $0x20, s22, s14, $0xb8;
	[tilespmem:$0x10E00] =	vst v63  }
0x26: {  	_ =	swait.ge [sflag:s10], $0x1000  }
0x27: {  	[sflag:s10] =	ssyncset.done $0x0  }
0x28: {  	s30 =	simm.s32 $0x100;
	[sflag:s10] =	ssyncadd.s32 $0xFFFFF000  }
0x29: {  	[tilespmem:s15], [sflag:$0x1] =	stream.indirect.gather [hbm4b:s7+s14], $0x20, s30, s14, $0xb8;
	[tilespmem:$0x10E00] =	vst v63  }
0x2a: {  	_ =	swait.ge [sflag:s18], $0x1000  }
0x2b: {  	[sflag:s18] =	ssyncset.done $0x0  }
0x2c: {  	s31 =	simm.s32 $0x4F80;
	[sflag:s18] =	ssyncadd.s32 $0xFFFFF000  }
0x2d: {  	[spmem:s2] =	stream.indirect.scatter.add.bf16 [tilespmem:s16], [sflag:$0x3], $0x20, s31, s14, $0xb8;
	[tilespmem:$0x10E00] =	vst v63  }
0x2e: {  	_ =	swait.ge [sflag:s10], $0x1000  }
0x2f: {  	[sflag:s10] =	ssyncset.done $0x0  }
0x30: {  	s23 =	simm.s32 $0x180;
	s22 =	simm.s32 $0x400;
	[sflag:s10] =	ssyncadd.s32 $0xFFFFF000  }
.LBB2_2:
0x31: {  	[tilespmem:s16], [sflag:$0x2] =	stream.indirect.gather [hbm4b:s7+s14], $0x20, s23, s14, $0xb8;
	[tilespmem:$0x10E00] =	vst v63  }
0x32: {  	s23 =	smov.u32 s22  }
0x33: {  	p0 =	sne.s32 s22, $0x13400;
	s22 =	sadd.s32 $0x400, s22;
	_ =	swait.ge [sflag:s17], $0x1000  }
0x34: {  	s23 =	sshra.s32 s23, $0x2;
	[sflag:s17] =	ssyncset.done $0x0  }
0x35: {  	s24 =	sadd.s32 $0x4F00, s23;
	[sflag:s17] =	ssyncadd.s32 $0xFFFFF000  }
0x36: {  	[spmem:s2] =	stream.indirect.scatter.add.bf16 [tilespmem:s15], [sflag:$0x3], $0x20, s24, s14, $0xb8;
	[tilespmem:$0x10E00] =	vst v63  }
0x37: {  	_ =	swait.ge [sflag:s10], $0x1000  }
0x38: {  	[sflag:s10] =	ssyncset.done $0x0  }
0x39: {  	s24 =	sadd.s32 $0x100, s23;
	[sflag:s10] =	ssyncadd.s32 $0xFFFFF000  }
0x3a: {  	[tilespmem:s15], [sflag:$0x1] =	stream.indirect.gather [hbm4b:s7+s14], $0x20, s24, s14, $0xb8;
	[tilespmem:$0x10E00] =	vst v63  }
0x3b: {  	_ =	swait.ge [sflag:s18], $0x1000  }
0x3c: {  	[sflag:s18] =	ssyncset.done $0x0  }
.Ltmp0:
0x3d: {  	s24 =	sadd.s32 $0x4F80, s23;
	[sflag:s18] =	ssyncadd.s32 $0xFFFFF000;
	(pc) =	sbr.rel @p0 .LBB2_2-.Ltmp0, $4  }
0x3e: {  	[spmem:s2] =	stream.indirect.scatter.add.bf16 [tilespmem:s16], [sflag:$0x3], $0x20, s24, s14, $0xb8;
	[tilespmem:$0x10E00] =	vst v63  }
0x3f: {  	_ =	swait.ge [sflag:s10], $0x1000  }
0x40: {  	[sflag:s10] =	ssyncset.done $0x0  }
0x41: {  	s23 =	sadd.s32 $0x180, s23;
	[sflag:s10] =	ssyncadd.s32 $0xFFFFF000  }
0x42: {  	[tilespmem:s16], [sflag:$0x2] =	stream.indirect.gather [hbm4b:s7+s14], $0x20, s23, s14, $0xb8;
	[tilespmem:$0x10E00] =	vst v63  }
0x43: {  	_ =	swait.ge [sflag:s17], $0x1000  }
0x44: {  	[sflag:s17] =	ssyncset.done $0x0  }
0x45: {  	[sflag:s17] =	ssyncadd.s32 $0xFFFFF000  }
0x46: {  	[spmem:s2] =	stream.indirect.scatter.add.bf16 [tilespmem:s15], [sflag:$0x3], $0x20, s19, s14, $0xb8;
	[tilespmem:$0x10E00] =	vst v63  }
0x47: {  	_ =	swait.ge [sflag:s10], $0x1000  }
0x48: {  	[sflag:s10] =	ssyncset.done $0x0  }
0x49: {  	[sflag:s10] =	ssyncadd.s32 $0xFFFFF000  }
0x4a: {  	_ =	swait.ge [sflag:s18], $0x1000  }
0x4b: {  	[sflag:s18] =	ssyncset.done $0x0  }
0x4c: {  	[sflag:s18] =	ssyncadd.s32 $0xFFFFF000  }
0x4d: {  	[spmem:s2] =	stream.indirect.scatter.add.bf16 [tilespmem:s16], [sflag:$0x3], $0x20, s20, s14, $0xb8;
	[tilespmem:$0x10E00] =	vst v63  }
0x4e: {  	_ =	swait.ge [sflag:s10], $0x1000  }
0x4f: {  	s21 =	sadd.s32 $0x1, s21;
	[sflag:s10] =	ssyncset.done $0x0  }
0x50: {  	p0 =	sne.s32 s21, s9;
	[sflag:s10] =	ssyncadd.s32 $0xFFFFF000  }
.Ltmp1:
0x51: {  	[bflag:$0x0] =	sbarrier.arrive $0xFFFF;
	(pc) =	sbr.rel @p0 .LBB2_1-.Ltmp1, $4  }
0x52: {  	[hbm:s8], [sflag:s12] =	dma.local [spmem:s13], $0xA00  }
0x53: {  	_ =	swait.ge [sflag:s10], $0xA00  }
0x54: {  	[sflag:s10] =	ssyncset.done $0x0  }
0x55: {  	[sflag:s10] =	ssyncadd.s32 $0xFFFFF600  }
0x56: {  	_ =	sfence.sel $0x180000  }
0x57: {  	[bflag:$0x0] =	sbarrier.arrive $0xFFFF  }
0x58: {  	p0 =	sne.s32 s1, $0x0;
	_ =	strace $0x9000004D  }
0x59: {  	s0 =	sadd.s32 @!p0 $0x100000, s0;
	[bflag:$0x2] =	sbarrier.arrive $0xFFFF  }
0x5a: {  	[sflag:s0] =	ssyncadd.tile.s32 @!p0 $0x1;
	_ =	shalt  }
.Lfunc_end2:
_tile_overlayer_lowered:
.L_overlay_start_2:
0x5b: {  	(tag) =	ssettag $0x2  }
0x5c: {  	s0 =	rddreg [dreg:$0x0];
	s2 =	stileid.u32  }
0x5d: {  	s1 =	rddreg [dreg:$0x1];
	p0 =	sne.s32 s2, $0x0  }
0x5e: {  	s3 =	rddreg [dreg:$0x2];
	[bflag:$0x3] =	sbarrier.arrive $0xFFFF;
	s2 =	simm.s32 @!p0 $0x1C03  }
0x5f: {  	[timem:s3], [sflag:s2] =	dma.local @!p0 [hbm:s0], s1  }
0x60: {  	s0 =	simm.s32 @!p0 $0x3  }
0x61: {  	_ =	swait.ge @!p0 [sflag:s0], s1  }
0x62: {  	s1 =	ssub.s32 @!p0 $0x0, s1;
	[sflag:s0] =	ssyncset.done @!p0 $0x0  }
0x63: {  	[sflag:s0] =	ssyncadd.s32 @!p0 s1  }
0x64: {  	[bflag:$0x3] =	sbarrier.arrive $0xFFFF  }
0x65: {  	_ =	shalt  }

// kernel: kernel.20.cloned.1.call-start
scs
__scs_entry_jumppad:
0x0: {  	(pc) =	sbr.rel $0x88, $3  }
0x1: {  	(tag) =	ssettag $0x0;
	lr =	simm.s32 $0x1  }
0x2: {  	[smem:$0x3F99] =	sst lr;
	_ =	strace $0xD0000000  }
0x3: {  	_ = 	snop  }
0x4: {  	_ = 	snop  }
0x5: {  	_ = 	snop  }
0x6: {  	_ = 	snop  }
0x7: {  	_ = 	snop  }
__scs_overlays_trampoline_lowered:
0x8: {  	[smem:$0x3FA8] =	sst s0  }
0x9: {  	[smem:$0x3FA9] =	sst s1  }
0xa: {  	[smem:$0x3FAA] =	sst s2  }
0xb: {  	[smem:$0x3FAB] =	sst s3  }
0xc: {  	[smem:$0x3FAC] =	sst s4  }
0xd: {  	[smem:$0x3FAD] =	sst s5  }
0xe: {  	[smem:$0x3FAE] =	sst s6  }
0xf: {  	[smem:$0x3FAF] =	sst s7  }
0x10: {  	[smem:$0x3FB0] =	sst s8  }
0x11: {  	[smem:$0x3FB1] =	sst s9;
	s0 =	simm.s32 @!p0 $0x0  }
0x12: {  	s1 =	sld [smem:$0x3F97];
	s0 =	simm.s32 @p0 $0x1  }
0x13: {  	[smem:$0x3FB2] =	sst s0;
	s0 =	simm.s32 @!p1 $0x0  }
0x14: {  	s2 =	sld [smem:$0x3F96];
	s0 =	simm.s32 @p1 $0x1  }
0x15: {  	[smem:$0x3FB3] =	sst s0;
	s0 =	simm.s32 @!p2 $0x0  }
0x16: {  	s3 =	sld [smem:$0x3FDB];
	s0 =	simm.s32 @p2 $0x1  }
0x17: {  	s4 =	simm.s32 $0x1BF5;
	[smem:$0x3FB5] =	sst s0  }
0x18: {  	s0 =	sld [smem:$0x3F98];
	_ =	swait.ge [sflag:s4], $0x0  }
0x19: {  	s7 =	sld [smem:$0x3F99]  }
0x1a: {  	s8 =	sadd.s32 $0xFFFFE003, lr  }
0x1b: {  	s9 =	sadd.s32 $0xFFFFFEF7, lr;
	s5 =	simm.s32 $0xFFFFFFFF;
	p2 =	slt.u32 s8, $0xFFFFF086  }
0x1c: {  	p1 =	slt.u32 s9, $0xF7A;
	s5 =	simm.s32 @!p2 $0x0  }
0x1d: {  	s5 =	simm.s32 @p1 $0x1;
	p0 =	seq.s32 s7, s2  }
0x1e: {  	s7 =	smul.u32 @!p0 $0xF7A, s2;
	p2 =	seq.s32 @!p0 s5, $0x0  }
0x1f: {  	s9 =	smul.u32 $0xF7A, s1;
	s8 =	simm.s32 @!p0 $0x1BF5;
	p2 =	por !p2, p0  }
0x20: {  	[sflag:s8] =	ssyncset.s32 @!p0 $0xFFFFF086;
	s6 =	sadd.s32 @!p0 s3, s7;
	s7 =	simm.s32 @!p0 $0x108  }
0x21: {  	s3 =	sadd.s32 s3, s9;
	s6 =	sadd.s32 @!p0 $0x88, s6;
	s7 =	simm.s32 @p2 $0x1082  }
0x22: {  	[simem:s7], [sflag:s8] =	dma.local @!p0 [hbm:s6], $0xF7A  }
0x23: {  	s9 =	sor.u32 $0xD0000000, s2;
	s6 =	simm.s32 $0x108;
	_ =	swait.ge @!p0 [sflag:s8], $0x0  }
0x24: {  	s3 =	sadd.s32 $0x88, s3;
	s6 =	simm.s32 @!p1 $0x1082;
	[sflag:s4] =	ssyncset.s32 $0xFFFFF086  }
0x25: {  	[simem:s6], [sflag:s4] =	dma.local [hbm:s3], $0xF7A  }
0x26: {  	[smem:$0x3F99] =	sst s1;
	(tag) =	ssettag s2;
	_ =	strace s9  }
0x27: {  	s1 =	sld [smem:$0x3FA9]  }
0x28: {  	s2 =	sld [smem:$0x3FAA]  }
0x29: {  	s4 =	sld [smem:$0x3FAC]  }
0x2a: {  	p0 =	seq.s32 s5, $0x0;
	s5 =	sld [smem:$0x3FAD]  }
0x2b: {  	s6 =	sld [smem:$0x3FAE]  }
0x2c: {  	s7 =	sld [smem:$0x3FAF]  }
0x2d: {  	s3 =	simm.s32 $0x108;
	s8 =	sld [smem:$0x3FB0]  }
0x2e: {  	s3 =	simm.s32 @!p0 $0x1082;
	s9 =	sld [smem:$0x3FB1]  }
0x2f: {  	lr =	sadd.s32 s0, s3;
	s0 =	sld [smem:$0x3FA8]  }
0x30: {  	s3 =	sld [smem:$0x3FAB]  }
0x31: {  	[smem:$0x3FB4] =	sst s10  }
0x32: {  	s10 =	sld [smem:$0x3FB2];
	_ =	sdelay $0x3  }
0x33: {  	p0 =	seq.s32 s10, $0x1;
	s10 =	sld [smem:$0x3FB4];
	_ =	sdelay $0x3  }
0x34: {  	[smem:$0x3FB4] =	sst s10  }
0x35: {  	s10 =	sld [smem:$0x3FB3];
	_ =	sdelay $0x3  }
0x36: {  	p1 =	seq.s32 s10, $0x1;
	s10 =	sld [smem:$0x3FB4];
	_ =	sdelay $0x3  }
0x37: {  	[smem:$0x3FB4] =	sst s10  }
0x38: {  	s10 =	sld [smem:$0x3FB5]  }
0x39: {  	_ = 	snop;
	(pc) =	sbr.ind lr, $3  }
0x3a: {  	_ = 	snop  }
0x3b: {  	_ = 	snop  }
0x3c: {  	p2 =	seq.s32 s10, $0x1;
	s10 =	sld [smem:$0x3FB4]  }
0x3d: {  	_ =	shalt  }
0x3e: {  	_ =	shalt  }
0x3f: {  	_ =	shalt  }
0x40: {  	_ =	shalt  }
0x41: {  	_ =	shalt  }
0x42: {  	_ =	shalt  }
0x43: {  	_ =	shalt  }
0x44: {  	_ =	shalt  }
0x45: {  	_ =	shalt  }
0x46: {  	_ =	shalt  }
0x47: {  	_ =	shalt  }
0x48: {  	_ =	shalt  }
0x49: {  	_ =	shalt  }
0x4a: {  	_ =	shalt  }
0x4b: {  	_ =	shalt  }
0x4c: {  	_ =	shalt  }
0x4d: {  	_ =	shalt  }
0x4e: {  	_ =	shalt  }
0x4f: {  	_ =	shalt  }
0x50: {  	_ =	shalt  }
0x51: {  	_ =	shalt  }
0x52: {  	_ =	shalt  }
0x53: {  	_ =	shalt  }
0x54: {  	_ =	shalt  }
0x55: {  	_ =	shalt  }
0x56: {  	_ =	shalt  }
0x57: {  	_ =	shalt  }
0x58: {  	_ =	shalt  }
0x59: {  	_ =	shalt  }
0x5a: {  	_ =	shalt  }
0x5b: {  	_ =	shalt  }
0x5c: {  	_ =	shalt  }
0x5d: {  	_ =	shalt  }
0x5e: {  	_ =	shalt  }
0x5f: {  	_ =	shalt  }
0x60: {  	_ =	shalt  }
0x61: {  	_ =	shalt  }
0x62: {  	_ =	shalt  }
0x63: {  	_ =	shalt  }
0x64: {  	_ =	shalt  }
0x65: {  	_ =	shalt  }
0x66: {  	_ =	shalt  }
0x67: {  	_ =	shalt  }
0x68: {  	_ =	shalt  }
0x69: {  	_ =	shalt  }
0x6a: {  	_ =	shalt  }
0x6b: {  	_ =	shalt  }
0x6c: {  	_ =	shalt  }
0x6d: {  	_ =	shalt  }
0x6e: {  	_ =	shalt  }
0x6f: {  	_ =	shalt  }
0x70: {  	_ =	shalt  }
0x71: {  	_ =	shalt  }
0x72: {  	_ =	shalt  }
0x73: {  	_ =	shalt  }
0x74: {  	_ =	shalt  }
0x75: {  	_ =	shalt  }
0x76: {  	_ =	shalt  }
0x77: {  	_ =	shalt  }
0x78: {  	_ =	shalt  }
0x79: {  	_ =	shalt  }
0x7a: {  	_ =	shalt  }
0x7b: {  	_ =	shalt  }
0x7c: {  	_ =	shalt  }
0x7d: {  	_ =	shalt  }
0x7e: {  	_ =	shalt  }
0x7f: {  	_ =	shalt  }
0x80: {  	_ =	shalt  }
0x81: {  	_ =	shalt  }
0x82: {  	_ =	shalt  }
0x83: {  	_ =	shalt  }
0x84: {  	_ =	shalt  }
0x85: {  	_ =	shalt  }
0x86: {  	_ =	shalt  }
0x87: {  	_ =	shalt  }
.Lfunc_end0:
.L_simem_size_0:
called_computation.3_lowered:
.L_overlay_start_0:
0x88: {  	s2 =	sld [smem:$0x3FD9]  }
0x89: {  	s3 =	sld [smem:$0x3FFE];
	_ =	sdelay $0x1  }
0x8a: {  	s1 =	srdreg.scid  }
0x8b: {  	s0 =	sand.u32 $0x1, s1  }
0x8c: {  	s17 =	sshll.u32 s0, $0xA;
	s2 =	sadd.s32 s3, s2  }
0x8d: {  	s2 =	sadd.s32 s2, s17  }
0x8e: {  	[smem:$0x3FC0] =	sst s2  }
0x8f: {  	_ = 	snop  }
0x90: {  	s2 =	sld [smem:$0x3FD0];
	(tm) =	ssettm $0x1  }
0x91: {  	s18 =	sld [smem:$0x3FFB];
	_ =	sdelay $0x3  }
0x92: {  	_ =	strace s18  }
0x93: {  	s3 =	sld [smem:$0x3FFC];
	_ =	sdelay $0x3  }
0x94: {  	_ =	strace s3  }
0x95: {  	s3 =	sld [smem:$0x3FFD];
	_ =	sdelay $0x3  }
0x96: {  	_ =	strace s3  }
0x97: {  	_ =	strace $0x8FFFFFFF  }
0x98: {  	s19 =	sld [smem:$0x3FDB];
	_ =	sdelay $0x1  }
0x99: {  	s4 =	simm.s32 $_scs_section_size  }
0x9a: {  	s5 =	simm.s32 $_size__tile_overlayer_lowered;
	s6 =	simm.s32 $_tile_overlayer_lowered  }
0x9b: {  	s22 =	simm.s32 $0x1BFF;
	s21 =	sshll.u32 s6, $0x1;
	s3 =	sadd.s32 s4, s19  }
0x9c: {  	s7 =	simm.s32 $0x0;
	s20 =	sshll.u32 s5, $0x1;
	s5 =	sadd.s32 s21, s3  }
0x9d: {  	[timem:s7], [sflag:s22] =	dma.local [hbm:s5], s20  }
0x9e: {  	_ =	swait.ge [sflag:s22], s20  }
0x9f: {  	s4 =	ssub.s32 $0x0, s20;
	[sflag:s22] =	ssyncset.done $0x0  }
0xa0: {  	[sflag:s22] =	ssyncadd.s32 s4;
	_ =	sdelay $0x1  }
0xa1: {  	s23 =	simm.s32 $0x1B8B  }
0xa2: {  	_ =	swait.ge [sflag:s23], $0x1  }
0xa3: {  	[sflag:s23] =	ssyncset.done $0x0  }
0xa4: {  	s25 =	simm.s32 $0x1B8E;
	s24 =	sld [smem:$0x3FFE];
	[sflag:s23] =	ssyncadd.s32 $0xFFFFFFFF  }
0xa5: {  	s26 =	simm.s32 $execute0_lowered;
	[smem:$0x3FD2] =	sst s25  }
0xa6: {  	s5 =	sshll.u32 s26, $0x1;
	_ =	strace $0x8000004F;
	[dreg:$0x1] =	wrdreg $0xFFFFFFFF  }
0xa7: {  	s28 =	simm.s32 $_size_execute0_lowered;
	s3 =	sadd.s32 s3, s5;
	[dreg:$0x0] =	wrdreg $0x0  }
0xa8: {  	s5 =	sshll.u32 s28, $0x1;
	[dreg:$0x2] =	wrdreg s3  }
0xa9: {  	[dreg:$0x3] =	wrdreg s5  }
0xaa: {  	[dreg:$0x4] =	wrdreg $0xC0  }
0xab: {  	_ =	task [dreg:s7], $0x5FFFF  }
0xac: {  	[dreg:$0x1] =	wrdreg $0xFFFFFFFF  }
0xad: {  	[dreg:$0x0] =	wrdreg $0x60  }
0xae: {  	[dreg:$0x2] =	wrdreg s2  }
0xaf: {  	[dreg:$0x3] =	wrdreg s24  }
0xb0: {  	[dreg:$0x4] =	wrdreg $0xBE000  }
0xb1: {  	[dreg:$0x5] =	wrdreg $0x9  }
0xb2: {  	_ =	task.clear_ibuf [dreg:s7], $0x6FFFF;
	_ =	strace $0x9000004F  }
0xb3: {  	s29 =	simm.s32 $0x9;
	_ =	strace $0x80000051  }
0xb4: {  	_ =	swait.ge [sflag:s29], $0x1  }
0xb5: {  	[sflag:s29] =	ssyncadd.s32 $0xFFFFFFFF  }
0xb6: {  	_ =	strace $0x90000051  }
0xb7: {  	_ =	sfence  }
0xb8: {  	s30 =	sld [smem:$0x0];
	_ =	sdelay $0x2  }
0xb9: {  	s31 =	sshll.u32 s1, $0xD;
	s1 =	sshrl.u32 s1, $0x2  }
0xba: {  	s3 =	sand.u32 $0x4000, s31;
	s1 =	sadd.s32 s1, s30  }
0xbb: {  	s0 =	sor.u32 s3, s0;
	s1 =	sshll.u32 s1, $0x11  }
0xbc: {  	s0 =	sor.u32 s1, s0  }
0xbd: {  	s0 =	sadd.s32 $0x8F2B, s0  }
0xbe: {  	[sflag:s0] =	ssyncadd.remote.s32 $0x1  }
0xbf: {  	_ =	sfence.sel $0xFFFF  }
0xc0: {  	[dreg:$0x0] =	wrdreg $0xFFFFFFFF;
	(pc) =	sbr.abs _section_cstart, $3  }
0xc1: {  	[dreg:$0x1] =	wrdreg $0xFFFFFFFF  }
0xc2: {  	_ =	task.clear_ibuf [dreg:s7], $0x2FFFF;
	_ =	strace $0x9FFFFFFF  }
0xc3: {  	(tm) =	ssettm $0x7FFFFFFF  }
tec
execute0_lowered:
.L_overlay_start_1:
0x0: {  	(tag) =	ssettag $0x1  }
0x1: {  	s7 =	rddreg [dreg:$0x0]  }
0x2: {  	s4 =	rddreg [dreg:$0x1]  }
0x3: {  	s2 =	rddreg [dreg:$0x2]  }
0x4: {  	s0 =	rddreg [dreg:$0x3];
	s1 =	stileid.u32  }
0x5: {  	s6 =	srdreg.scid;
	s3 =	simm.s32 $0x0;
	s14 =	simm.s32 $0x80  }
0x6: {  	s15 =	simm.s32 $0x9E00;
	s16 =	simm.s32 $0xAE00;
	s17 =	simm.s32 $0x1  }
0x7: {  	s18 =	simm.s32 $0x2;
	s19 =	simm.s32 $0x9D00;
	s5 =	smul.u32 $0x9E0, s1  }
0x8: {  	s20 =	simm.s32 $0x9D80;
	s21 =	simm.s32 $0x0;
	s8 =	smul.u32 $0xA000, s1  }
0x9: {  	s6 =	sand.u32 $0x1, s6;
	[smem:$0x7FF] =	sst s3;
	s31 =	sshll.u32 s1, $0x6  }
0xa: {  	s9 =	smul.u32 $0xA0000, s6;
	_ =	strace $0x80000050;
	s6 =	ssub.s32 $0x2, s6  }
0xb: {  	s5 =	sadd.s32 s5, s4;
	s10 =	sshrl.u32 s8, $0x4;
	s12 =	sshrl.u32 s6, $0x1  }
0xc: {  	s29 =	sshrl.u32 s8, $0x1;
	s11 =	sadd.s32 s8, s9;
	s10 =	sadd.s32 s10, s4  }
0xd: {  	s12 =	ssub.s32 s6, s12;
	s30 =	sshrl.u32 s9, $0x4;
	s13 =	sadd.s32 s29, s2  }
0xe: {  	s11 =	sshrl.u32 s11, $0x4;
	s6 =	sadd.s32 $0x34A00, s10;
	s7 =	sadd.s32 s7, s30  }
0xf: {  	s9 =	smax.u32 s12, $0x1;
	s10 =	simm.s32 $0x3;
	s12 =	sor.u32 $0x1C03, s31  }
0x10: {  	s13 =	sshrl.u32 s13, $0x3;
	s11 =	sadd.s32 s11, s4;
	s4 =	sadd.s32 $0x3EA00, s5  }
0x11: {  	s5 =	sadd.s32 $0x2800, s5;
	s8 =	sadd.s32 $0xC600, s11;
	s11 =	simm.s32 $0x4F00  }
.LBB2_1:
0x12: {  	[tilespmem:s3], [sflag:$0x3] =	stream.linear.gather [hbm4b:s4+s3], $0x4F00, $0x38;
	[tilespmem:$0x10E00] =	vst v63  }
0x13: {  	_ =	swait.ge [sflag:s10], $0x4F00  }
0x14: {  	[sflag:s10] =	ssyncset.done $0x0  }
0x15: {  	[sflag:s10] =	ssyncadd.s32 $0xFFFFB100  }
0x16: {  	[tilespmem:s11], [sflag:$0x3] =	stream.linear.gather [hbm4b:s5+s3], $0x4F00, $0x38;
	[tilespmem:$0x10E00] =	vst v63  }
0x17: {  	_ =	swait.ge [sflag:s10], $0x4F00  }
0x18: {  	[sflag:s10] =	ssyncset.done $0x0  }
0x19: {  	[sflag:s10] =	ssyncadd.s32 $0xFFFFB100  }
0x1a: {  	[spmem:s13], [sflag:s12] =	dma.local [hbm:s6], $0xA00  }
0x1b: {  	_ =	swait.ge [sflag:s10], $0xA00  }
0x1c: {  	[sflag:s10] =	ssyncset.done $0x0  }
0x1d: {  	[sflag:s10] =	ssyncadd.s32 $0xFFFFF600  }
0x1e: {  	[bflag:$0x0] =	sbarrier.arrive $0xFFFF  }
0x1f: {  	[tilespmem:s15], [sflag:$0x1] =	stream.indirect.gather [hbm4b:s7+s14], $0x20, s3, s14, $0xb8;
	[tilespmem:$0x10E00] =	vst v63  }
0x20: {  	_ = 	snop  }
0x21: {  	[tilespmem:s16], [sflag:$0x2] =	stream.indirect.gather [hbm4b:s7+s14], $0x20, s14, s14, $0xb8;
	[tilespmem:$0x10E00] =	vst v63  }
0x22: {  	_ =	swait.ge [sflag:s17], $0x1000  }
0x23: {  	[sflag:s17] =	ssyncset.done $0x0  }
0x24: {  	s22 =	simm.s32 $0x4F00;
	[sflag:s17] =	ssyncadd.s32 $0xFFFFF000  }
0x25: {  	[spmem:s2] =	stream.indirect.scatter.add.bf16 [tilespmem:s15], [sflag:$0x3], $0x20, s22, s14, $0xb8;
	[tilespmem:$0x10E00] =	vst v63  }
0x26: {  	_ =	swait.ge [sflag:s10], $0x1000  }
0x27: {  	[sflag:s10] =	ssyncset.done $0x0  }
0x28: {  	s30 =	simm.s32 $0x100;
	[sflag:s10] =	ssyncadd.s32 $0xFFFFF000  }
0x29: {  	[tilespmem:s15], [sflag:$0x1] =	stream.indirect.gather [hbm4b:s7+s14], $0x20, s30, s14, $0xb8;
	[tilespmem:$0x10E00] =	vst v63  }
0x2a: {  	_ =	swait.ge [sflag:s18], $0x1000  }
0x2b: {  	[sflag:s18] =	ssyncset.done $0x0  }
0x2c: {  	s31 =	simm.s32 $0x4F80;
	[sflag:s18] =	ssyncadd.s32 $0xFFFFF000  }
0x2d: {  	[spmem:s2] =	stream.indirect.scatter.add.bf16 [tilespmem:s16], [sflag:$0x3], $0x20, s31, s14, $0xb8;
	[tilespmem:$0x10E00] =	vst v63  }
0x2e: {  	_ =	swait.ge [sflag:s10], $0x1000  }
0x2f: {  	[sflag:s10] =	ssyncset.done $0x0  }
0x30: {  	s23 =	simm.s32 $0x180;
	s22 =	simm.s32 $0x400;
	[sflag:s10] =	ssyncadd.s32 $0xFFFFF000  }
.LBB2_2:
0x31: {  	[tilespmem:s16], [sflag:$0x2] =	stream.indirect.gather [hbm4b:s7+s14], $0x20, s23, s14, $0xb8;
	[tilespmem:$0x10E00] =	vst v63  }
0x32: {  	s23 =	smov.u32 s22  }
0x33: {  	p0 =	sne.s32 s22, $0x13400;
	s22 =	sadd.s32 $0x400, s22;
	_ =	swait.ge [sflag:s17], $0x1000  }
0x34: {  	s23 =	sshra.s32 s23, $0x2;
	[sflag:s17] =	ssyncset.done $0x0  }
0x35: {  	s24 =	sadd.s32 $0x4F00, s23;
	[sflag:s17] =	ssyncadd.s32 $0xFFFFF000  }
0x36: {  	[spmem:s2] =	stream.indirect.scatter.add.bf16 [tilespmem:s15], [sflag:$0x3], $0x20, s24, s14, $0xb8;
	[tilespmem:$0x10E00] =	vst v63  }
0x37: {  	_ =	swait.ge [sflag:s10], $0x1000  }
0x38: {  	[sflag:s10] =	ssyncset.done $0x0  }
0x39: {  	s24 =	sadd.s32 $0x100, s23;
	[sflag:s10] =	ssyncadd.s32 $0xFFFFF000  }
0x3a: {  	[tilespmem:s15], [sflag:$0x1] =	stream.indirect.gather [hbm4b:s7+s14], $0x20, s24, s14, $0xb8;
	[tilespmem:$0x10E00] =	vst v63  }
0x3b: {  	_ =	swait.ge [sflag:s18], $0x1000  }
0x3c: {  	[sflag:s18] =	ssyncset.done $0x0  }
.Ltmp0:
0x3d: {  	s24 =	sadd.s32 $0x4F80, s23;
	[sflag:s18] =	ssyncadd.s32 $0xFFFFF000;
	(pc) =	sbr.rel @p0 .LBB2_2-.Ltmp0, $4  }
0x3e: {  	[spmem:s2] =	stream.indirect.scatter.add.bf16 [tilespmem:s16], [sflag:$0x3], $0x20, s24, s14, $0xb8;
	[tilespmem:$0x10E00] =	vst v63  }
0x3f: {  	_ =	swait.ge [sflag:s10], $0x1000  }
0x40: {  	[sflag:s10] =	ssyncset.done $0x0  }
0x41: {  	s23 =	sadd.s32 $0x180, s23;
	[sflag:s10] =	ssyncadd.s32 $0xFFFFF000  }
0x42: {  	[tilespmem:s16], [sflag:$0x2] =	stream.indirect.gather [hbm4b:s7+s14], $0x20, s23, s14, $0xb8;
	[tilespmem:$0x10E00] =	vst v63  }
0x43: {  	_ =	swait.ge [sflag:s17], $0x1000  }
0x44: {  	[sflag:s17] =	ssyncset.done $0x0  }
0x45: {  	[sflag:s17] =	ssyncadd.s32 $0xFFFFF000  }
0x46: {  	[spmem:s2] =	stream.indirect.scatter.add.bf16 [tilespmem:s15], [sflag:$0x3], $0x20, s19, s14, $0xb8;
	[tilespmem:$0x10E00] =	vst v63  }
0x47: {  	_ =	swait.ge [sflag:s10], $0x1000  }
0x48: {  	[sflag:s10] =	ssyncset.done $0x0  }
0x49: {  	[sflag:s10] =	ssyncadd.s32 $0xFFFFF000  }
0x4a: {  	_ =	swait.ge [sflag:s18], $0x1000  }
0x4b: {  	[sflag:s18] =	ssyncset.done $0x0  }
0x4c: {  	[sflag:s18] =	ssyncadd.s32 $0xFFFFF000  }
0x4d: {  	[spmem:s2] =	stream.indirect.scatter.add.bf16 [tilespmem:s16], [sflag:$0x3], $0x20, s20, s14, $0xb8;
	[tilespmem:$0x10E00] =	vst v63  }
0x4e: {  	_ =	swait.ge [sflag:s10], $0x1000  }
0x4f: {  	s21 =	sadd.s32 $0x1, s21;
	[sflag:s10] =	ssyncset.done $0x0  }
0x50: {  	p0 =	sne.s32 s21, s9;
	[sflag:s10] =	ssyncadd.s32 $0xFFFFF000  }
.Ltmp1:
0x51: {  	[bflag:$0x0] =	sbarrier.arrive $0xFFFF;
	(pc) =	sbr.rel @p0 .LBB2_1-.Ltmp1, $4  }
0x52: {  	[hbm:s8], [sflag:s12] =	dma.local [spmem:s13], $0xA00  }
0x53: {  	_ =	swait.ge [sflag:s10], $0xA00  }
0x54: {  	[sflag:s10] =	ssyncset.done $0x0  }
0x55: {  	[sflag:s10] =	ssyncadd.s32 $0xFFFFF600  }
0x56: {  	_ =	sfence.sel $0x180000  }
0x57: {  	[bflag:$0x0] =	sbarrier.arrive $0xFFFF  }
0x58: {  	p0 =	sne.s32 s1, $0x0;
	_ =	strace $0x90000050  }
0x59: {  	s0 =	sadd.s32 @!p0 $0x100000, s0;
	[bflag:$0x2] =	sbarrier.arrive $0xFFFF  }
0x5a: {  	[sflag:s0] =	ssyncadd.tile.s32 @!p0 $0x1;
	_ =	shalt  }
.Lfunc_end2:
_tile_overlayer_lowered:
.L_overlay_start_2:
0x5b: {  	(tag) =	ssettag $0x2  }
0x5c: {  	s0 =	rddreg [dreg:$0x0];
	s2 =	stileid.u32  }
0x5d: {  	s1 =	rddreg [dreg:$0x1];
	p0 =	sne.s32 s2, $0x0  }
0x5e: {  	s3 =	rddreg [dreg:$0x2];
	[bflag:$0x3] =	sbarrier.arrive $0xFFFF;
	s2 =	simm.s32 @!p0 $0x1C03  }
0x5f: {  	[timem:s3], [sflag:s2] =	dma.local @!p0 [hbm:s0], s1  }
0x60: {  	s0 =	simm.s32 @!p0 $0x3  }
0x61: {  	_ =	swait.ge @!p0 [sflag:s0], s1  }
0x62: {  	s1 =	ssub.s32 @!p0 $0x0, s1;
	[sflag:s0] =	ssyncset.done @!p0 $0x0  }
0x63: {  	[sflag:s0] =	ssyncadd.s32 @!p0 s1  }
0x64: {  	[bflag:$0x3] =	sbarrier.arrive $0xFFFF  }
0x65: {  	_ =	shalt  }

</sc_bundles>
